<compile_context>
chip_gen: v7x
topology: tpu7x:2x2x1
jax: 0.10.2.dev20260603
libtpu: 0.0.44.dev20260713+nightly
codegen_flags: <defaults>
</compile_context>

<pallas_src>
import functools

import jax
import jax.numpy as jnp
from jax import lax
from jax.experimental import pallas as pl
from jax.experimental.pallas import tpu as pltpu
from jax.experimental.pallas import tpu_sc as plsc

_NUM_CORES = 2
_NUM_SUBCORES = 16
_NW = _NUM_CORES * _NUM_SUBCORES
_CHUNK = 128
_NSLOT = 5


@functools.partial(jax.jit, static_argnums=(2, 3))
def _gather_flat(flat_idx, table, n, d):
    v = table.shape[0]
    per_w = n // _NW
    n_chunks = per_w // _CHUNK
    n_groups = n_chunks // _NSLOT
    stage_w = 5
    stage_rows = v // stage_w
    assert stage_rows % 8 == 0 and stage_rows * stage_w == v
    mesh = plsc.VectorSubcoreMesh(core_axis_name="c", subcore_axis_name="s")

    @functools.partial(
        pl.kernel,
        mesh=mesh,
        out_type=jax.ShapeDtypeStruct((n, d), jnp.float32),
        scratch_types=(
            [pltpu.VMEM((per_w,), jnp.int32),
             pltpu.VMEM((_NSLOT, _CHUNK, d), jnp.float32),
             pltpu.VMEM_SHARED((v, d), jnp.float32)]
            + [pltpu.SemaphoreType.DMA] * (2 * _NSLOT)
        ),
    )
    def emb(idx_hbm, table_hbm, out_hbm, idx_v, rows_v, table_sh, *sems):
        gsem = sems[:_NSLOT]
        osem = sems[_NSLOT:]
        sid = lax.axis_index("s")
        wid = sid * _NUM_CORES + lax.axis_index("c")
        base = wid * per_w

        @pl.when(sid < stage_w)
        def _():
            pltpu.sync_copy(
                table_hbm.at[pl.ds(sid * stage_rows, stage_rows)],
                table_sh.at[pl.ds(sid * stage_rows, stage_rows)],
            )

        pltpu.sync_copy(idx_hbm.at[pl.ds(base, per_w)], idx_v)
        plsc.subcore_barrier()

        def fire_gather(c, b):
            pltpu.async_copy(
                table_sh.at[idx_v.at[pl.ds(c * _CHUNK, _CHUNK)]],
                rows_v.at[b],
                gsem[b],
            )

        def wait_gather(b):
            pltpu.make_async_copy(
                table_sh.at[pl.ds(0, _CHUNK)], rows_v.at[b], gsem[b]
            ).wait()

        def fire_out(c, b):
            pltpu.async_copy(
                rows_v.at[b], out_hbm.at[pl.ds(base + c * _CHUNK, _CHUNK)], osem[b]
            )

        def wait_out(b):
            pltpu.make_async_copy(
                rows_v.at[b], out_hbm.at[pl.ds(base, _CHUNK)], osem[b]
            ).wait()

        for b in range(_NSLOT):
            fire_gather(b, b)

        def body(g, carry):
            c0 = g * _NSLOT
            for b in range(_NSLOT):
                wait_gather(b)
                fire_out(c0 + b, b)
            for b in range(_NSLOT):
                wait_out(b)
                fire_gather(c0 + _NSLOT + b, b)
            return carry

        lax.fori_loop(0, n_groups - 1, body, 0)

        c0 = (n_groups - 1) * _NSLOT
        for b in range(_NSLOT):
            wait_gather(b)
            fire_out(c0 + b, b)
        for b in range(_NSLOT):
            wait_out(b)

    return emb(flat_idx, table)


def kernel(t_index, pos_emb):
    b, t = t_index.shape
    d = pos_emb.shape[1]
    n = b * t
    flat = t_index.reshape(n)
    out = _gather_flat(flat, pos_emb, n, d)
    return out.reshape(b, t, d)

# --- scband reference (transcript-rebuilt; emitter-appended) ---
"""Pipeline reference for scband-sinusoid-time-embedding-22222160790140 (READ-ONLY COPY).

The authoritative reference and input builder live on the scoring server;
editing this copy changes nothing except your own understanding.
"""

import math
import jax, jax.numpy as jnp
import numpy as np

STEPS = 1000
SIZE = 128

def _make_pos_emb(steps, size):
    position = np.arange(0, steps, dtype=np.float32)[:, None]
    div_term = np.exp(np.arange(0, size, 2, dtype=np.float32) * (-math.log(10000.0) / size))
    pe = np.zeros((steps, size), dtype=np.float32)
    pe[:, 0::2] = np.sin(position * div_term)
    pe[:, 1::2] = np.cos(position * div_term)
    return jnp.asarray(pe)

def setup_inputs(seed: int = 0) -> dict:
    key = jax.random.key(seed)
    t_index = jax.random.randint(key, (4096, 200), 0, STEPS, dtype=jnp.int32)
    pos_emb = _make_pos_emb(STEPS, SIZE)
    return {"t_index": t_index, "pos_emb": pos_emb}

def reference(t_index, pos_emb):
    b, t = t_index.shape
    flat = t_index.reshape(-1)
    out = jnp.take(pos_emb, flat, axis=0)
    out = out.reshape(b, t, pos_emb.shape[1])
    return out

if __name__ == "__main__":
    import jax
    _d = setup_inputs()
    print(jax.jit(kernel)(*tuple(_d.values())))

</pallas_src>

<mosaic_0001>
#map = affine_map<(d0, d1) -> (0)>
#map1 = affine_map<(d0, d1) -> (0, 0)>
module attributes {stable_mosaic.version = 14 : i64} {
  func.func @emb(%arg0: i32, %arg1: i32, %arg2: memref<819200xi32, #tpu.memory_space<hbm>>, %arg3: memref<1000x128xf32, #tpu.memory_space<hbm>>, %arg4: memref<819200x128xf32, #tpu.memory_space<hbm>>, %arg5: memref<25600xi32, #tpu.memory_space<vmem>>, %arg6: memref<5x128x128xf32, #tpu.memory_space<vmem>>, %arg7: memref<1000x128xf32, #tpu.memory_space<vmem_shared>>, %arg8: memref<!tpu.dma_semaphore, #tpu.memory_space<semaphore_mem>>, %arg9: memref<!tpu.dma_semaphore, #tpu.memory_space<semaphore_mem>>, %arg10: memref<!tpu.dma_semaphore, #tpu.memory_space<semaphore_mem>>, %arg11: memref<!tpu.dma_semaphore, #tpu.memory_space<semaphore_mem>>, %arg12: memref<!tpu.dma_semaphore, #tpu.memory_space<semaphore_mem>>, %arg13: memref<!tpu.dma_semaphore, #tpu.memory_space<semaphore_mem>>, %arg14: memref<!tpu.dma_semaphore, #tpu.memory_space<semaphore_mem>>, %arg15: memref<!tpu.dma_semaphore, #tpu.memory_space<semaphore_mem>>, %arg16: memref<!tpu.dma_semaphore, #tpu.memory_space<semaphore_mem>>, %arg17: memref<!tpu.dma_semaphore, #tpu.memory_space<semaphore_mem>>) attributes {dimension_semantics = [#tpu.dimension_semantics<core_parallel>, #tpu.dimension_semantics<subcore_parallel>], iteration_bounds = array<i64: 2, 16>, scalar_prefetch = 0 : i64, scratch_operands = 13 : i64, tpu.core_type = #tpu.core_type<sc_vector_subcore>, window_params = [{transform_indices = #map}, {transform_indices = #map1}, {transform_indices = #map1}]} {
    %mul3A = arith.constant 2 : i32
    %mul3A_0 = arith.muli %arg1, %mul3A : i32
    %add3A = arith.addi %mul3A_0, %arg0 : i32
    %mul3A_1 = arith.constant 25600 : i32
    %mul3A_2 = arith.muli %add3A, %mul3A_1 : i32
    %lt3A = arith.constant 5 : i32
    %lt3A_3 = arith.cmpi slt, %arg1, %lt3A : i32
    %convert_element_type3A = arith.extui %lt3A_3 : i1 to i32
    %cond3A = arith.constant 0 : i32
    %cond3A_4 = arith.cmpi ne, %convert_element_type3A, %cond3A : i32
    scf.if %cond3A_4 {
      %mul3A_273 = arith.constant 200 : i32
      %mul3A_274 = arith.muli %arg1, %mul3A_273 : i32
      %mul3A_275 = arith.constant 200 : i32
      %mul3A_276 = arith.muli %arg1, %mul3A_275 : i32
      "tpu.region"() ({
        %run_scoped3A = tpu.sem_alloc : memref<!tpu.dma_semaphore, #tpu.memory_space<semaphore_mem>>
        %dma_start3A_277 = arith.constant 0 : i32
        %dma_start3A_278 = tpu.memref_slice %arg7[%mul3A_276, %dma_start3A_277] : memref<1000x128xf32, #tpu.memory_space<vmem_shared>> -> memref<200x128xf32, #tpu.memory_space<vmem_shared>>
        %dma_start3A_279 = arith.constant 0 : i32
        %dma_start3A_280 = tpu.memref_slice %arg3[%mul3A_274, %dma_start3A_279] : memref<1000x128xf32, #tpu.memory_space<hbm>> -> memref<200x128xf32, #tpu.memory_space<hbm>>
        tpu.enqueue_dma source(%dma_start3A_280 : memref<200x128xf32, #tpu.memory_space<hbm>>) target(%dma_start3A_278 : memref<200x128xf32, #tpu.memory_space<vmem_shared>>) target_semaphore(%run_scoped3A : memref<!tpu.dma_semaphore, #tpu.memory_space<semaphore_mem>>)
        %dma_wait3A_281 = arith.constant 0 : i32
        %dma_wait3A_282 = tpu.memref_slice %arg7[%mul3A_276, %dma_wait3A_281] : memref<1000x128xf32, #tpu.memory_space<vmem_shared>> -> memref<200x128xf32, #tpu.memory_space<vmem_shared>>
        %dma_wait3A_283 = arith.constant 0 : i32
        %dma_wait3A_284 = tpu.memref_slice %arg3[%mul3A_274, %dma_wait3A_283] : memref<1000x128xf32, #tpu.memory_space<hbm>> -> memref<200x128xf32, #tpu.memory_space<hbm>>
        tpu.wait_dma2 semaphore(%run_scoped3A : memref<!tpu.dma_semaphore, #tpu.memory_space<semaphore_mem>>) src(%dma_wait3A_284 : memref<200x128xf32, #tpu.memory_space<hbm>>) dst(%dma_wait3A_282 : memref<200x128xf32, #tpu.memory_space<vmem_shared>>)
        tpu.yield
      }) : () -> ()
    } else {
    }
    "tpu.region"() ({
      %run_scoped3A = tpu.sem_alloc : memref<!tpu.dma_semaphore, #tpu.memory_space<semaphore_mem>>
      %dma_start3A_273 = tpu.memref_slice %arg2[%mul3A_2] : memref<819200xi32, #tpu.memory_space<hbm>> -> memref<25600xi32, #tpu.memory_space<hbm>>
      %dma_start3A_274 = tpu.memref_slice %arg2[%mul3A_2] : memref<819200xi32, #tpu.memory_space<hbm>> -> memref<25600xi32, #tpu.memory_space<hbm>>
      tpu.enqueue_dma source(%dma_start3A_274 : memref<25600xi32, #tpu.memory_space<hbm>>) target(%arg5 : memref<25600xi32, #tpu.memory_space<vmem>>) target_semaphore(%run_scoped3A : memref<!tpu.dma_semaphore, #tpu.memory_space<semaphore_mem>>)
      %dma_wait3A_275 = tpu.memref_slice %arg2[%mul3A_2] : memref<819200xi32, #tpu.memory_space<hbm>> -> memref<25600xi32, #tpu.memory_space<hbm>>
      %dma_wait3A_276 = tpu.memref_slice %arg2[%mul3A_2] : memref<819200xi32, #tpu.memory_space<hbm>> -> memref<25600xi32, #tpu.memory_space<hbm>>
      tpu.wait_dma2 semaphore(%run_scoped3A : memref<!tpu.dma_semaphore, #tpu.memory_space<semaphore_mem>>) src(%dma_wait3A_276 : memref<25600xi32, #tpu.memory_space<hbm>>) dst(%arg5 : memref<25600xi32, #tpu.memory_space<vmem>>)
      tpu.yield
    }) : () -> ()
    %barrier3A = arith.constant 0 : index
    tpu.barrier barrier_id(%barrier3A)
    %dma_start3A = arith.constant 0 : i32
    %dma_start3A_5 = arith.constant 0 : i32
    %dma_start3A_6 = arith.constant 0 : i32
    %dma_start3A_7 = tpu.memref_slice %arg6[%dma_start3A, %dma_start3A_5, %dma_start3A_6] : memref<5x128x128xf32, #tpu.memory_space<vmem>> -> memref<1x128x128xf32, #tpu.memory_space<vmem>>
    %dma_start3A_8 = tpu.memref_squeeze %dma_start3A_7 : memref<1x128x128xf32, #tpu.memory_space<vmem>> -> memref<128x128xf32, #tpu.memory_space<vmem>>
    %dma_start3A_9 = arith.constant 0 : i32
    %dma_start3A_10 = tpu.memref_slice %arg5[%dma_start3A_9] : memref<25600xi32, #tpu.memory_space<vmem>> -> memref<128xi32, #tpu.memory_space<vmem>>
    %dma_start3A_11 = arith.constant 0 : i32
    %dma_start3A_12 = arith.constant 0 : i32
    %dma_start3A_13 = tpu.memref_slice %arg7[%dma_start3A_11, %dma_start3A_12] : memref<1000x128xf32, #tpu.memory_space<vmem_shared>> -> memref<1000x128xf32, #tpu.memory_space<vmem_shared>>
    tpu.enqueue_indirect_dma source(%dma_start3A_13 : memref<1000x128xf32, #tpu.memory_space<vmem_shared>>) target(%dma_start3A_8 : memref<128x128xf32, #tpu.memory_space<vmem>>) offsets(%dma_start3A_10 : memref<128xi32, #tpu.memory_space<vmem>>) semaphore(%arg8 : memref<!tpu.dma_semaphore, #tpu.memory_space<semaphore_mem>>)
    %dma_start3A_14 = arith.constant 1 : i32
    %dma_start3A_15 = arith.constant 0 : i32
    %dma_start3A_16 = arith.constant 0 : i32
    %dma_start3A_17 = tpu.memref_slice %arg6[%dma_start3A_14, %dma_start3A_15, %dma_start3A_16] : memref<5x128x128xf32, #tpu.memory_space<vmem>> -> memref<1x128x128xf32, #tpu.memory_space<vmem>>
    %dma_start3A_18 = tpu.memref_squeeze %dma_start3A_17 : memref<1x128x128xf32, #tpu.memory_space<vmem>> -> memref<128x128xf32, #tpu.memory_space<vmem>>
    %dma_start3A_19 = arith.constant 128 : i32
    %dma_start3A_20 = tpu.memref_slice %arg5[%dma_start3A_19] : memref<25600xi32, #tpu.memory_space<vmem>> -> memref<128xi32, #tpu.memory_space<vmem>>
    %dma_start3A_21 = arith.constant 0 : i32
    %dma_start3A_22 = arith.constant 0 : i32
    %dma_start3A_23 = tpu.memref_slice %arg7[%dma_start3A_21, %dma_start3A_22] : memref<1000x128xf32, #tpu.memory_space<vmem_shared>> -> memref<1000x128xf32, #tpu.memory_space<vmem_shared>>
    tpu.enqueue_indirect_dma source(%dma_start3A_23 : memref<1000x128xf32, #tpu.memory_space<vmem_shared>>) target(%dma_start3A_18 : memref<128x128xf32, #tpu.memory_space<vmem>>) offsets(%dma_start3A_20 : memref<128xi32, #tpu.memory_space<vmem>>) semaphore(%arg9 : memref<!tpu.dma_semaphore, #tpu.memory_space<semaphore_mem>>)
    %dma_start3A_24 = arith.constant 2 : i32
    %dma_start3A_25 = arith.constant 0 : i32
    %dma_start3A_26 = arith.constant 0 : i32
    %dma_start3A_27 = tpu.memref_slice %arg6[%dma_start3A_24, %dma_start3A_25, %dma_start3A_26] : memref<5x128x128xf32, #tpu.memory_space<vmem>> -> memref<1x128x128xf32, #tpu.memory_space<vmem>>
    %dma_start3A_28 = tpu.memref_squeeze %dma_start3A_27 : memref<1x128x128xf32, #tpu.memory_space<vmem>> -> memref<128x128xf32, #tpu.memory_space<vmem>>
    %dma_start3A_29 = arith.constant 256 : i32
    %dma_start3A_30 = tpu.memref_slice %arg5[%dma_start3A_29] : memref<25600xi32, #tpu.memory_space<vmem>> -> memref<128xi32, #tpu.memory_space<vmem>>
    %dma_start3A_31 = arith.constant 0 : i32
    %dma_start3A_32 = arith.constant 0 : i32
    %dma_start3A_33 = tpu.memref_slice %arg7[%dma_start3A_31, %dma_start3A_32] : memref<1000x128xf32, #tpu.memory_space<vmem_shared>> -> memref<1000x128xf32, #tpu.memory_space<vmem_shared>>
    tpu.enqueue_indirect_dma source(%dma_start3A_33 : memref<1000x128xf32, #tpu.memory_space<vmem_shared>>) target(%dma_start3A_28 : memref<128x128xf32, #tpu.memory_space<vmem>>) offsets(%dma_start3A_30 : memref<128xi32, #tpu.memory_space<vmem>>) semaphore(%arg10 : memref<!tpu.dma_semaphore, #tpu.memory_space<semaphore_mem>>)
    %dma_start3A_34 = arith.constant 3 : i32
    %dma_start3A_35 = arith.constant 0 : i32
    %dma_start3A_36 = arith.constant 0 : i32
    %dma_start3A_37 = tpu.memref_slice %arg6[%dma_start3A_34, %dma_start3A_35, %dma_start3A_36] : memref<5x128x128xf32, #tpu.memory_space<vmem>> -> memref<1x128x128xf32, #tpu.memory_space<vmem>>
    %dma_start3A_38 = tpu.memref_squeeze %dma_start3A_37 : memref<1x128x128xf32, #tpu.memory_space<vmem>> -> memref<128x128xf32, #tpu.memory_space<vmem>>
    %dma_start3A_39 = arith.constant 384 : i32
    %dma_start3A_40 = tpu.memref_slice %arg5[%dma_start3A_39] : memref<25600xi32, #tpu.memory_space<vmem>> -> memref<128xi32, #tpu.memory_space<vmem>>
    %dma_start3A_41 = arith.constant 0 : i32
    %dma_start3A_42 = arith.constant 0 : i32
    %dma_start3A_43 = tpu.memref_slice %arg7[%dma_start3A_41, %dma_start3A_42] : memref<1000x128xf32, #tpu.memory_space<vmem_shared>> -> memref<1000x128xf32, #tpu.memory_space<vmem_shared>>
    tpu.enqueue_indirect_dma source(%dma_start3A_43 : memref<1000x128xf32, #tpu.memory_space<vmem_shared>>) target(%dma_start3A_38 : memref<128x128xf32, #tpu.memory_space<vmem>>) offsets(%dma_start3A_40 : memref<128xi32, #tpu.memory_space<vmem>>) semaphore(%arg11 : memref<!tpu.dma_semaphore, #tpu.memory_space<semaphore_mem>>)
    %dma_start3A_44 = arith.constant 4 : i32
    %dma_start3A_45 = arith.constant 0 : i32
    %dma_start3A_46 = arith.constant 0 : i32
    %dma_start3A_47 = tpu.memref_slice %arg6[%dma_start3A_44, %dma_start3A_45, %dma_start3A_46] : memref<5x128x128xf32, #tpu.memory_space<vmem>> -> memref<1x128x128xf32, #tpu.memory_space<vmem>>
    %dma_start3A_48 = tpu.memref_squeeze %dma_start3A_47 : memref<1x128x128xf32, #tpu.memory_space<vmem>> -> memref<128x128xf32, #tpu.memory_space<vmem>>
    %dma_start3A_49 = arith.constant 512 : i32
    %dma_start3A_50 = tpu.memref_slice %arg5[%dma_start3A_49] : memref<25600xi32, #tpu.memory_space<vmem>> -> memref<128xi32, #tpu.memory_space<vmem>>
    %dma_start3A_51 = arith.constant 0 : i32
    %dma_start3A_52 = arith.constant 0 : i32
    %dma_start3A_53 = tpu.memref_slice %arg7[%dma_start3A_51, %dma_start3A_52] : memref<1000x128xf32, #tpu.memory_space<vmem_shared>> -> memref<1000x128xf32, #tpu.memory_space<vmem_shared>>
    tpu.enqueue_indirect_dma source(%dma_start3A_53 : memref<1000x128xf32, #tpu.memory_space<vmem_shared>>) target(%dma_start3A_48 : memref<128x128xf32, #tpu.memory_space<vmem>>) offsets(%dma_start3A_50 : memref<128xi32, #tpu.memory_space<vmem>>) semaphore(%arg12 : memref<!tpu.dma_semaphore, #tpu.memory_space<semaphore_mem>>)
    %scan3A = arith.constant 0 : i32
    %scan3A_54 = arith.constant 0 : i32
    %scan3A_55 = arith.constant 39 : i32
    %scan3A_56 = arith.addi %scan3A_54, %scan3A_55 : i32
    %scan3A_57 = arith.constant 1 : i32
    scf.for %scan3A_273 = %scan3A_54 to %scan3A_56 step %scan3A_57  : i32 {
      %mul3A_274 = arith.constant 5 : i32
      %mul3A_275 = arith.muli %scan3A_273, %mul3A_274 : i32
      %dma_wait3A_276 = arith.constant 0 : i32
      %dma_wait3A_277 = arith.constant 0 : i32
      %dma_wait3A_278 = arith.constant 0 : i32
      %dma_wait3A_279 = tpu.memref_slice %arg6[%dma_wait3A_276, %dma_wait3A_277, %dma_wait3A_278] : memref<5x128x128xf32, #tpu.memory_space<vmem>> -> memref<1x128x128xf32, #tpu.memory_space<vmem>>
      %dma_wait3A_280 = tpu.memref_squeeze %dma_wait3A_279 : memref<1x128x128xf32, #tpu.memory_space<vmem>> -> memref<128x128xf32, #tpu.memory_space<vmem>>
      %dma_wait3A_281 = arith.constant 0 : i32
      %dma_wait3A_282 = arith.constant 0 : i32
      %dma_wait3A_283 = tpu.memref_slice %arg7[%dma_wait3A_281, %dma_wait3A_282] : memref<1000x128xf32, #tpu.memory_space<vmem_shared>> -> memref<128x128xf32, #tpu.memory_space<vmem_shared>>
      %dma_wait3A_284 = arith.constant 0 : i32
      %dma_wait3A_285 = arith.constant 0 : i32
      %dma_wait3A_286 = tpu.memref_slice %arg6[%dma_wait3A_276, %dma_wait3A_284, %dma_wait3A_285] : memref<5x128x128xf32, #tpu.memory_space<vmem>> -> memref<1x128x128xf32, #tpu.memory_space<vmem>>
      %dma_wait3A_287 = tpu.memref_squeeze %dma_wait3A_286 : memref<1x128x128xf32, #tpu.memory_space<vmem>> -> memref<128x128xf32, #tpu.memory_space<vmem>>
      %dma_wait3A_288 = arith.constant 0 : i32
      %dma_wait3A_289 = arith.constant 0 : i32
      %dma_wait3A_290 = tpu.memref_slice %arg7[%dma_wait3A_288, %dma_wait3A_289] : memref<1000x128xf32, #tpu.memory_space<vmem_shared>> -> memref<128x128xf32, #tpu.memory_space<vmem_shared>>
      tpu.wait_dma2 semaphore(%arg8 : memref<!tpu.dma_semaphore, #tpu.memory_space<semaphore_mem>>) src(%dma_wait3A_290 : memref<128x128xf32, #tpu.memory_space<vmem_shared>>) dst(%dma_wait3A_287 : memref<128x128xf32, #tpu.memory_space<vmem>>)
      %add3A_291 = arith.constant 0 : i32
      %add3A_292 = arith.addi %mul3A_275, %add3A_291 : i32
      %mul3A_293 = arith.constant 128 : i32
      %mul3A_294 = arith.muli %add3A_292, %mul3A_293 : i32
      %add3A_295 = arith.addi %mul3A_2, %mul3A_294 : i32
      %dma_start3A_296 = arith.constant 0 : i32
      %dma_start3A_297 = arith.constant 0 : i32
      %dma_start3A_298 = arith.constant 0 : i32
      %dma_start3A_299 = tpu.memref_slice %arg6[%dma_start3A_296, %dma_start3A_297, %dma_start3A_298] : memref<5x128x128xf32, #tpu.memory_space<vmem>> -> memref<1x128x128xf32, #tpu.memory_space<vmem>>
      %dma_start3A_300 = tpu.memref_squeeze %dma_start3A_299 : memref<1x128x128xf32, #tpu.memory_space<vmem>> -> memref<128x128xf32, #tpu.memory_space<vmem>>
      %dma_start3A_301 = arith.constant 0 : i32
      %dma_start3A_302 = tpu.memref_slice %arg4[%add3A_295, %dma_start3A_301] : memref<819200x128xf32, #tpu.memory_space<hbm>> -> memref<128x128xf32, #tpu.memory_space<hbm>>
      %dma_start3A_303 = arith.constant 0 : i32
      %dma_start3A_304 = tpu.memref_slice %arg4[%add3A_295, %dma_start3A_303] : memref<819200x128xf32, #tpu.memory_space<hbm>> -> memref<128x128xf32, #tpu.memory_space<hbm>>
      %dma_start3A_305 = arith.constant 0 : i32
      %dma_start3A_306 = arith.constant 0 : i32
      %dma_start3A_307 = tpu.memref_slice %arg6[%dma_start3A_296, %dma_start3A_305, %dma_start3A_306] : memref<5x128x128xf32, #tpu.memory_space<vmem>> -> memref<1x128x128xf32, #tpu.memory_space<vmem>>
      %dma_start3A_308 = tpu.memref_squeeze %dma_start3A_307 : memref<1x128x128xf32, #tpu.memory_space<vmem>> -> memref<128x128xf32, #tpu.memory_space<vmem>>
      tpu.enqueue_dma source(%dma_start3A_308 : memref<128x128xf32, #tpu.memory_space<vmem>>) target(%dma_start3A_304 : memref<128x128xf32, #tpu.memory_space<hbm>>) target_semaphore(%arg13 : memref<!tpu.dma_semaphore, #tpu.memory_space<semaphore_mem>>)
      %dma_wait3A_309 = arith.constant 1 : i32
      %dma_wait3A_310 = arith.constant 0 : i32
      %dma_wait3A_311 = arith.constant 0 : i32
      %dma_wait3A_312 = tpu.memref_slice %arg6[%dma_wait3A_309, %dma_wait3A_310, %dma_wait3A_311] : memref<5x128x128xf32, #tpu.memory_space<vmem>> -> memref<1x128x128xf32, #tpu.memory_space<vmem>>
      %dma_wait3A_313 = tpu.memref_squeeze %dma_wait3A_312 : memref<1x128x128xf32, #tpu.memory_space<vmem>> -> memref<128x128xf32, #tpu.memory_space<vmem>>
      %dma_wait3A_314 = arith.constant 0 : i32
      %dma_wait3A_315 = arith.constant 0 : i32
      %dma_wait3A_316 = tpu.memref_slice %arg7[%dma_wait3A_314, %dma_wait3A_315] : memref<1000x128xf32, #tpu.memory_space<vmem_shared>> -> memref<128x128xf32, #tpu.memory_space<vmem_shared>>
      %dma_wait3A_317 = arith.constant 0 : i32
      %dma_wait3A_318 = arith.constant 0 : i32
      %dma_wait3A_319 = tpu.memref_slice %arg6[%dma_wait3A_309, %dma_wait3A_317, %dma_wait3A_318] : memref<5x128x128xf32, #tpu.memory_space<vmem>> -> memref<1x128x128xf32, #tpu.memory_space<vmem>>
      %dma_wait3A_320 = tpu.memref_squeeze %dma_wait3A_319 : memref<1x128x128xf32, #tpu.memory_space<vmem>> -> memref<128x128xf32, #tpu.memory_space<vmem>>
      %dma_wait3A_321 = arith.constant 0 : i32
      %dma_wait3A_322 = arith.constant 0 : i32
      %dma_wait3A_323 = tpu.memref_slice %arg7[%dma_wait3A_321, %dma_wait3A_322] : memref<1000x128xf32, #tpu.memory_space<vmem_shared>> -> memref<128x128xf32, #tpu.memory_space<vmem_shared>>
      tpu.wait_dma2 semaphore(%arg9 : memref<!tpu.dma_semaphore, #tpu.memory_space<semaphore_mem>>) src(%dma_wait3A_323 : memref<128x128xf32, #tpu.memory_space<vmem_shared>>) dst(%dma_wait3A_320 : memref<128x128xf32, #tpu.memory_space<vmem>>)
      %add3A_324 = arith.constant 1 : i32
      %add3A_325 = arith.addi %mul3A_275, %add3A_324 : i32
      %mul3A_326 = arith.constant 128 : i32
      %mul3A_327 = arith.muli %add3A_325, %mul3A_326 : i32
      %add3A_328 = arith.addi %mul3A_2, %mul3A_327 : i32
      %dma_start3A_329 = arith.constant 1 : i32
      %dma_start3A_330 = arith.constant 0 : i32
      %dma_start3A_331 = arith.constant 0 : i32
      %dma_start3A_332 = tpu.memref_slice %arg6[%dma_start3A_329, %dma_start3A_330, %dma_start3A_331] : memref<5x128x128xf32, #tpu.memory_space<vmem>> -> memref<1x128x128xf32, #tpu.memory_space<vmem>>
      %dma_start3A_333 = tpu.memref_squeeze %dma_start3A_332 : memref<1x128x128xf32, #tpu.memory_space<vmem>> -> memref<128x128xf32, #tpu.memory_space<vmem>>
      %dma_start3A_334 = arith.constant 0 : i32
      %dma_start3A_335 = tpu.memref_slice %arg4[%add3A_328, %dma_start3A_334] : memref<819200x128xf32, #tpu.memory_space<hbm>> -> memref<128x128xf32, #tpu.memory_space<hbm>>
      %dma_start3A_336 = arith.constant 0 : i32
      %dma_start3A_337 = tpu.memref_slice %arg4[%add3A_328, %dma_start3A_336] : memref<819200x128xf32, #tpu.memory_space<hbm>> -> memref<128x128xf32, #tpu.memory_space<hbm>>
      %dma_start3A_338 = arith.constant 0 : i32
      %dma_start3A_339 = arith.constant 0 : i32
      %dma_start3A_340 = tpu.memref_slice %arg6[%dma_start3A_329, %dma_start3A_338, %dma_start3A_339] : memref<5x128x128xf32, #tpu.memory_space<vmem>> -> memref<1x128x128xf32, #tpu.memory_space<vmem>>
      %dma_start3A_341 = tpu.memref_squeeze %dma_start3A_340 : memref<1x128x128xf32, #tpu.memory_space<vmem>> -> memref<128x128xf32, #tpu.memory_space<vmem>>
      tpu.enqueue_dma source(%dma_start3A_341 : memref<128x128xf32, #tpu.memory_space<vmem>>) target(%dma_start3A_337 : memref<128x128xf32, #tpu.memory_space<hbm>>) target_semaphore(%arg14 : memref<!tpu.dma_semaphore, #tpu.memory_space<semaphore_mem>>)
      %dma_wait3A_342 = arith.constant 2 : i32
      %dma_wait3A_343 = arith.constant 0 : i32
      %dma_wait3A_344 = arith.constant 0 : i32
      %dma_wait3A_345 = tpu.memref_slice %arg6[%dma_wait3A_342, %dma_wait3A_343, %dma_wait3A_344] : memref<5x128x128xf32, #tpu.memory_space<vmem>> -> memref<1x128x128xf32, #tpu.memory_space<vmem>>
      %dma_wait3A_346 = tpu.memref_squeeze %dma_wait3A_345 : memref<1x128x128xf32, #tpu.memory_space<vmem>> -> memref<128x128xf32, #tpu.memory_space<vmem>>
      %dma_wait3A_347 = arith.constant 0 : i32
      %dma_wait3A_348 = arith.constant 0 : i32
      %dma_wait3A_349 = tpu.memref_slice %arg7[%dma_wait3A_347, %dma_wait3A_348] : memref<1000x128xf32, #tpu.memory_space<vmem_shared>> -> memref<128x128xf32, #tpu.memory_space<vmem_shared>>
      %dma_wait3A_350 = arith.constant 0 : i32
      %dma_wait3A_351 = arith.constant 0 : i32
      %dma_wait3A_352 = tpu.memref_slice %arg6[%dma_wait3A_342, %dma_wait3A_350, %dma_wait3A_351] : memref<5x128x128xf32, #tpu.memory_space<vmem>> -> memref<1x128x128xf32, #tpu.memory_space<vmem>>
      %dma_wait3A_353 = tpu.memref_squeeze %dma_wait3A_352 : memref<1x128x128xf32, #tpu.memory_space<vmem>> -> memref<128x128xf32, #tpu.memory_space<vmem>>
      %dma_wait3A_354 = arith.constant 0 : i32
      %dma_wait3A_355 = arith.constant 0 : i32
      %dma_wait3A_356 = tpu.memref_slice %arg7[%dma_wait3A_354, %dma_wait3A_355] : memref<1000x128xf32, #tpu.memory_space<vmem_shared>> -> memref<128x128xf32, #tpu.memory_space<vmem_shared>>
      tpu.wait_dma2 semaphore(%arg10 : memref<!tpu.dma_semaphore, #tpu.memory_space<semaphore_mem>>) src(%dma_wait3A_356 : memref<128x128xf32, #tpu.memory_space<vmem_shared>>) dst(%dma_wait3A_353 : memref<128x128xf32, #tpu.memory_space<vmem>>)
      %add3A_357 = arith.constant 2 : i32
      %add3A_358 = arith.addi %mul3A_275, %add3A_357 : i32
      %mul3A_359 = arith.constant 128 : i32
      %mul3A_360 = arith.muli %add3A_358, %mul3A_359 : i32
      %add3A_361 = arith.addi %mul3A_2, %mul3A_360 : i32
      %dma_start3A_362 = arith.constant 2 : i32
      %dma_start3A_363 = arith.constant 0 : i32
      %dma_start3A_364 = arith.constant 0 : i32
      %dma_start3A_365 = tpu.memref_slice %arg6[%dma_start3A_362, %dma_start3A_363, %dma_start3A_364] : memref<5x128x128xf32, #tpu.memory_space<vmem>> -> memref<1x128x128xf32, #tpu.memory_space<vmem>>
      %dma_start3A_366 = tpu.memref_squeeze %dma_start3A_365 : memref<1x128x128xf32, #tpu.memory_space<vmem>> -> memref<128x128xf32, #tpu.memory_space<vmem>>
      %dma_start3A_367 = arith.constant 0 : i32
      %dma_start3A_368 = tpu.memref_slice %arg4[%add3A_361, %dma_start3A_367] : memref<819200x128xf32, #tpu.memory_space<hbm>> -> memref<128x128xf32, #tpu.memory_space<hbm>>
      %dma_start3A_369 = arith.constant 0 : i32
      %dma_start3A_370 = tpu.memref_slice %arg4[%add3A_361, %dma_start3A_369] : memref<819200x128xf32, #tpu.memory_space<hbm>> -> memref<128x128xf32, #tpu.memory_space<hbm>>
      %dma_start3A_371 = arith.constant 0 : i32
      %dma_start3A_372 = arith.constant 0 : i32
      %dma_start3A_373 = tpu.memref_slice %arg6[%dma_start3A_362, %dma_start3A_371, %dma_start3A_372] : memref<5x128x128xf32, #tpu.memory_space<vmem>> -> memref<1x128x128xf32, #tpu.memory_space<vmem>>
      %dma_start3A_374 = tpu.memref_squeeze %dma_start3A_373 : memref<1x128x128xf32, #tpu.memory_space<vmem>> -> memref<128x128xf32, #tpu.memory_space<vmem>>
      tpu.enqueue_dma source(%dma_start3A_374 : memref<128x128xf32, #tpu.memory_space<vmem>>) target(%dma_start3A_370 : memref<128x128xf32, #tpu.memory_space<hbm>>) target_semaphore(%arg15 : memref<!tpu.dma_semaphore, #tpu.memory_space<semaphore_mem>>)
      %dma_wait3A_375 = arith.constant 3 : i32
      %dma_wait3A_376 = arith.constant 0 : i32
      %dma_wait3A_377 = arith.constant 0 : i32
      %dma_wait3A_378 = tpu.memref_slice %arg6[%dma_wait3A_375, %dma_wait3A_376, %dma_wait3A_377] : memref<5x128x128xf32, #tpu.memory_space<vmem>> -> memref<1x128x128xf32, #tpu.memory_space<vmem>>
      %dma_wait3A_379 = tpu.memref_squeeze %dma_wait3A_378 : memref<1x128x128xf32, #tpu.memory_space<vmem>> -> memref<128x128xf32, #tpu.memory_space<vmem>>
      %dma_wait3A_380 = arith.constant 0 : i32
      %dma_wait3A_381 = arith.constant 0 : i32
      %dma_wait3A_382 = tpu.memref_slice %arg7[%dma_wait3A_380, %dma_wait3A_381] : memref<1000x128xf32, #tpu.memory_space<vmem_shared>> -> memref<128x128xf32, #tpu.memory_space<vmem_shared>>
      %dma_wait3A_383 = arith.constant 0 : i32
      %dma_wait3A_384 = arith.constant 0 : i32
      %dma_wait3A_385 = tpu.memref_slice %arg6[%dma_wait3A_375, %dma_wait3A_383, %dma_wait3A_384] : memref<5x128x128xf32, #tpu.memory_space<vmem>> -> memref<1x128x128xf32, #tpu.memory_space<vmem>>
      %dma_wait3A_386 = tpu.memref_squeeze %dma_wait3A_385 : memref<1x128x128xf32, #tpu.memory_space<vmem>> -> memref<128x128xf32, #tpu.memory_space<vmem>>
      %dma_wait3A_387 = arith.constant 0 : i32
      %dma_wait3A_388 = arith.constant 0 : i32
      %dma_wait3A_389 = tpu.memref_slice %arg7[%dma_wait3A_387, %dma_wait3A_388] : memref<1000x128xf32, #tpu.memory_space<vmem_shared>> -> memref<128x128xf32, #tpu.memory_space<vmem_shared>>
      tpu.wait_dma2 semaphore(%arg11 : memref<!tpu.dma_semaphore, #tpu.memory_space<semaphore_mem>>) src(%dma_wait3A_389 : memref<128x128xf32, #tpu.memory_space<vmem_shared>>) dst(%dma_wait3A_386 : memref<128x128xf32, #tpu.memory_space<vmem>>)
      %add3A_390 = arith.constant 3 : i32
      %add3A_391 = arith.addi %mul3A_275, %add3A_390 : i32
      %mul3A_392 = arith.constant 128 : i32
      %mul3A_393 = arith.muli %add3A_391, %mul3A_392 : i32
      %add3A_394 = arith.addi %mul3A_2, %mul3A_393 : i32
      %dma_start3A_395 = arith.constant 3 : i32
      %dma_start3A_396 = arith.constant 0 : i32
      %dma_start3A_397 = arith.constant 0 : i32
      %dma_start3A_398 = tpu.memref_slice %arg6[%dma_start3A_395, %dma_start3A_396, %dma_start3A_397] : memref<5x128x128xf32, #tpu.memory_space<vmem>> -> memref<1x128x128xf32, #tpu.memory_space<vmem>>
      %dma_start3A_399 = tpu.memref_squeeze %dma_start3A_398 : memref<1x128x128xf32, #tpu.memory_space<vmem>> -> memref<128x128xf32, #tpu.memory_space<vmem>>
      %dma_start3A_400 = arith.constant 0 : i32
      %dma_start3A_401 = tpu.memref_slice %arg4[%add3A_394, %dma_start3A_400] : memref<819200x128xf32, #tpu.memory_space<hbm>> -> memref<128x128xf32, #tpu.memory_space<hbm>>
      %dma_start3A_402 = arith.constant 0 : i32
      %dma_start3A_403 = tpu.memref_slice %arg4[%add3A_394, %dma_start3A_402] : memref<819200x128xf32, #tpu.memory_space<hbm>> -> memref<128x128xf32, #tpu.memory_space<hbm>>
      %dma_start3A_404 = arith.constant 0 : i32
      %dma_start3A_405 = arith.constant 0 : i32
      %dma_start3A_406 = tpu.memref_slice %arg6[%dma_start3A_395, %dma_start3A_404, %dma_start3A_405] : memref<5x128x128xf32, #tpu.memory_space<vmem>> -> memref<1x128x128xf32, #tpu.memory_space<vmem>>
      %dma_start3A_407 = tpu.memref_squeeze %dma_start3A_406 : memref<1x128x128xf32, #tpu.memory_space<vmem>> -> memref<128x128xf32, #tpu.memory_space<vmem>>
      tpu.enqueue_dma source(%dma_start3A_407 : memref<128x128xf32, #tpu.memory_space<vmem>>) target(%dma_start3A_403 : memref<128x128xf32, #tpu.memory_space<hbm>>) target_semaphore(%arg16 : memref<!tpu.dma_semaphore, #tpu.memory_space<semaphore_mem>>)
      %dma_wait3A_408 = arith.constant 4 : i32
      %dma_wait3A_409 = arith.constant 0 : i32
      %dma_wait3A_410 = arith.constant 0 : i32
      %dma_wait3A_411 = tpu.memref_slice %arg6[%dma_wait3A_408, %dma_wait3A_409, %dma_wait3A_410] : memref<5x128x128xf32, #tpu.memory_space<vmem>> -> memref<1x128x128xf32, #tpu.memory_space<vmem>>
      %dma_wait3A_412 = tpu.memref_squeeze %dma_wait3A_411 : memref<1x128x128xf32, #tpu.memory_space<vmem>> -> memref<128x128xf32, #tpu.memory_space<vmem>>
      %dma_wait3A_413 = arith.constant 0 : i32
      %dma_wait3A_414 = arith.constant 0 : i32
      %dma_wait3A_415 = tpu.memref_slice %arg7[%dma_wait3A_413, %dma_wait3A_414] : memref<1000x128xf32, #tpu.memory_space<vmem_shared>> -> memref<128x128xf32, #tpu.memory_space<vmem_shared>>
      %dma_wait3A_416 = arith.constant 0 : i32
      %dma_wait3A_417 = arith.constant 0 : i32
      %dma_wait3A_418 = tpu.memref_slice %arg6[%dma_wait3A_408, %dma_wait3A_416, %dma_wait3A_417] : memref<5x128x128xf32, #tpu.memory_space<vmem>> -> memref<1x128x128xf32, #tpu.memory_space<vmem>>
      %dma_wait3A_419 = tpu.memref_squeeze %dma_wait3A_418 : memref<1x128x128xf32, #tpu.memory_space<vmem>> -> memref<128x128xf32, #tpu.memory_space<vmem>>
      %dma_wait3A_420 = arith.constant 0 : i32
      %dma_wait3A_421 = arith.constant 0 : i32
      %dma_wait3A_422 = tpu.memref_slice %arg7[%dma_wait3A_420, %dma_wait3A_421] : memref<1000x128xf32, #tpu.memory_space<vmem_shared>> -> memref<128x128xf32, #tpu.memory_space<vmem_shared>>
      tpu.wait_dma2 semaphore(%arg12 : memref<!tpu.dma_semaphore, #tpu.memory_space<semaphore_mem>>) src(%dma_wait3A_422 : memref<128x128xf32, #tpu.memory_space<vmem_shared>>) dst(%dma_wait3A_419 : memref<128x128xf32, #tpu.memory_space<vmem>>)
      %add3A_423 = arith.constant 4 : i32
      %add3A_424 = arith.addi %mul3A_275, %add3A_423 : i32
      %mul3A_425 = arith.constant 128 : i32
      %mul3A_426 = arith.muli %add3A_424, %mul3A_425 : i32
      %add3A_427 = arith.addi %mul3A_2, %mul3A_426 : i32
      %dma_start3A_428 = arith.constant 4 : i32
      %dma_start3A_429 = arith.constant 0 : i32
      %dma_start3A_430 = arith.constant 0 : i32
      %dma_start3A_431 = tpu.memref_slice %arg6[%dma_start3A_428, %dma_start3A_429, %dma_start3A_430] : memref<5x128x128xf32, #tpu.memory_space<vmem>> -> memref<1x128x128xf32, #tpu.memory_space<vmem>>
      %dma_start3A_432 = tpu.memref_squeeze %dma_start3A_431 : memref<1x128x128xf32, #tpu.memory_space<vmem>> -> memref<128x128xf32, #tpu.memory_space<vmem>>
      %dma_start3A_433 = arith.constant 0 : i32
      %dma_start3A_434 = tpu.memref_slice %arg4[%add3A_427, %dma_start3A_433] : memref<819200x128xf32, #tpu.memory_space<hbm>> -> memref<128x128xf32, #tpu.memory_space<hbm>>
      %dma_start3A_435 = arith.constant 0 : i32
      %dma_start3A_436 = tpu.memref_slice %arg4[%add3A_427, %dma_start3A_435] : memref<819200x128xf32, #tpu.memory_space<hbm>> -> memref<128x128xf32, #tpu.memory_space<hbm>>
      %dma_start3A_437 = arith.constant 0 : i32
      %dma_start3A_438 = arith.constant 0 : i32
      %dma_start3A_439 = tpu.memref_slice %arg6[%dma_start3A_428, %dma_start3A_437, %dma_start3A_438] : memref<5x128x128xf32, #tpu.memory_space<vmem>> -> memref<1x128x128xf32, #tpu.memory_space<vmem>>
      %dma_start3A_440 = tpu.memref_squeeze %dma_start3A_439 : memref<1x128x128xf32, #tpu.memory_space<vmem>> -> memref<128x128xf32, #tpu.memory_space<vmem>>
      tpu.enqueue_dma source(%dma_start3A_440 : memref<128x128xf32, #tpu.memory_space<vmem>>) target(%dma_start3A_436 : memref<128x128xf32, #tpu.memory_space<hbm>>) target_semaphore(%arg17 : memref<!tpu.dma_semaphore, #tpu.memory_space<semaphore_mem>>)
      %dma_wait3A_441 = arith.constant 0 : i32
      %dma_wait3A_442 = arith.constant 0 : i32
      %dma_wait3A_443 = arith.constant 0 : i32
      %dma_wait3A_444 = tpu.memref_slice %arg6[%dma_wait3A_441, %dma_wait3A_442, %dma_wait3A_443] : memref<5x128x128xf32, #tpu.memory_space<vmem>> -> memref<1x128x128xf32, #tpu.memory_space<vmem>>
      %dma_wait3A_445 = tpu.memref_squeeze %dma_wait3A_444 : memref<1x128x128xf32, #tpu.memory_space<vmem>> -> memref<128x128xf32, #tpu.memory_space<vmem>>
      %dma_wait3A_446 = arith.constant 0 : i32
      %dma_wait3A_447 = tpu.memref_slice %arg4[%mul3A_2, %dma_wait3A_446] : memref<819200x128xf32, #tpu.memory_space<hbm>> -> memref<128x128xf32, #tpu.memory_space<hbm>>
      %dma_wait3A_448 = arith.constant 0 : i32
      %dma_wait3A_449 = tpu.memref_slice %arg4[%mul3A_2, %dma_wait3A_448] : memref<819200x128xf32, #tpu.memory_space<hbm>> -> memref<128x128xf32, #tpu.memory_space<hbm>>
      %dma_wait3A_450 = arith.constant 0 : i32
      %dma_wait3A_451 = arith.constant 0 : i32
      %dma_wait3A_452 = tpu.memref_slice %arg6[%dma_wait3A_441, %dma_wait3A_450, %dma_wait3A_451] : memref<5x128x128xf32, #tpu.memory_space<vmem>> -> memref<1x128x128xf32, #tpu.memory_space<vmem>>
      %dma_wait3A_453 = tpu.memref_squeeze %dma_wait3A_452 : memref<1x128x128xf32, #tpu.memory_space<vmem>> -> memref<128x128xf32, #tpu.memory_space<vmem>>
      tpu.wait_dma2 semaphore(%arg13 : memref<!tpu.dma_semaphore, #tpu.memory_space<semaphore_mem>>) src(%dma_wait3A_453 : memref<128x128xf32, #tpu.memory_space<vmem>>) dst(%dma_wait3A_449 : memref<128x128xf32, #tpu.memory_space<hbm>>)
      %add3A_454 = arith.constant 5 : i32
      %add3A_455 = arith.addi %mul3A_275, %add3A_454 : i32
      %add3A_456 = arith.constant 0 : i32
      %add3A_457 = arith.addi %add3A_455, %add3A_456 : i32
      %mul3A_458 = arith.constant 128 : i32
      %mul3A_459 = arith.muli %add3A_457, %mul3A_458 : i32
      %dma_start3A_460 = arith.constant 0 : i32
      %dma_start3A_461 = arith.constant 0 : i32
      %dma_start3A_462 = arith.constant 0 : i32
      %dma_start3A_463 = tpu.memref_slice %arg6[%dma_start3A_460, %dma_start3A_461, %dma_start3A_462] : memref<5x128x128xf32, #tpu.memory_space<vmem>> -> memref<1x128x128xf32, #tpu.memory_space<vmem>>
      %dma_start3A_464 = tpu.memref_squeeze %dma_start3A_463 : memref<1x128x128xf32, #tpu.memory_space<vmem>> -> memref<128x128xf32, #tpu.memory_space<vmem>>
      %dma_start3A_465 = tpu.memref_slice %arg5[%mul3A_459] : memref<25600xi32, #tpu.memory_space<vmem>> -> memref<128xi32, #tpu.memory_space<vmem>>
      %dma_start3A_466 = arith.constant 0 : i32
      %dma_start3A_467 = arith.constant 0 : i32
      %dma_start3A_468 = tpu.memref_slice %arg7[%dma_start3A_466, %dma_start3A_467] : memref<1000x128xf32, #tpu.memory_space<vmem_shared>> -> memref<1000x128xf32, #tpu.memory_space<vmem_shared>>
      tpu.enqueue_indirect_dma source(%dma_start3A_468 : memref<1000x128xf32, #tpu.memory_space<vmem_shared>>) target(%dma_start3A_464 : memref<128x128xf32, #tpu.memory_space<vmem>>) offsets(%dma_start3A_465 : memref<128xi32, #tpu.memory_space<vmem>>) semaphore(%arg8 : memref<!tpu.dma_semaphore, #tpu.memory_space<semaphore_mem>>)
      %dma_wait3A_469 = arith.constant 1 : i32
      %dma_wait3A_470 = arith.constant 0 : i32
      %dma_wait3A_471 = arith.constant 0 : i32
      %dma_wait3A_472 = tpu.memref_slice %arg6[%dma_wait3A_469, %dma_wait3A_470, %dma_wait3A_471] : memref<5x128x128xf32, #tpu.memory_space<vmem>> -> memref<1x128x128xf32, #tpu.memory_space<vmem>>
      %dma_wait3A_473 = tpu.memref_squeeze %dma_wait3A_472 : memref<1x128x128xf32, #tpu.memory_space<vmem>> -> memref<128x128xf32, #tpu.memory_space<vmem>>
      %dma_wait3A_474 = arith.constant 0 : i32
      %dma_wait3A_475 = tpu.memref_slice %arg4[%mul3A_2, %dma_wait3A_474] : memref<819200x128xf32, #tpu.memory_space<hbm>> -> memref<128x128xf32, #tpu.memory_space<hbm>>
      %dma_wait3A_476 = arith.constant 0 : i32
      %dma_wait3A_477 = tpu.memref_slice %arg4[%mul3A_2, %dma_wait3A_476] : memref<819200x128xf32, #tpu.memory_space<hbm>> -> memref<128x128xf32, #tpu.memory_space<hbm>>
      %dma_wait3A_478 = arith.constant 0 : i32
      %dma_wait3A_479 = arith.constant 0 : i32
      %dma_wait3A_480 = tpu.memref_slice %arg6[%dma_wait3A_469, %dma_wait3A_478, %dma_wait3A_479] : memref<5x128x128xf32, #tpu.memory_space<vmem>> -> memref<1x128x128xf32, #tpu.memory_space<vmem>>
      %dma_wait3A_481 = tpu.memref_squeeze %dma_wait3A_480 : memref<1x128x128xf32, #tpu.memory_space<vmem>> -> memref<128x128xf32, #tpu.memory_space<vmem>>
      tpu.wait_dma2 semaphore(%arg14 : memref<!tpu.dma_semaphore, #tpu.memory_space<semaphore_mem>>) src(%dma_wait3A_481 : memref<128x128xf32, #tpu.memory_space<vmem>>) dst(%dma_wait3A_477 : memref<128x128xf32, #tpu.memory_space<hbm>>)
      %add3A_482 = arith.constant 5 : i32
      %add3A_483 = arith.addi %mul3A_275, %add3A_482 : i32
      %add3A_484 = arith.constant 1 : i32
      %add3A_485 = arith.addi %add3A_483, %add3A_484 : i32
      %mul3A_486 = arith.constant 128 : i32
      %mul3A_487 = arith.muli %add3A_485, %mul3A_486 : i32
      %dma_start3A_488 = arith.constant 1 : i32
      %dma_start3A_489 = arith.constant 0 : i32
      %dma_start3A_490 = arith.constant 0 : i32
      %dma_start3A_491 = tpu.memref_slice %arg6[%dma_start3A_488, %dma_start3A_489, %dma_start3A_490] : memref<5x128x128xf32, #tpu.memory_space<vmem>> -> memref<1x128x128xf32, #tpu.memory_space<vmem>>
      %dma_start3A_492 = tpu.memref_squeeze %dma_start3A_491 : memref<1x128x128xf32, #tpu.memory_space<vmem>> -> memref<128x128xf32, #tpu.memory_space<vmem>>
      %dma_start3A_493 = tpu.memref_slice %arg5[%mul3A_487] : memref<25600xi32, #tpu.memory_space<vmem>> -> memref<128xi32, #tpu.memory_space<vmem>>
      %dma_start3A_494 = arith.constant 0 : i32
      %dma_start3A_495 = arith.constant 0 : i32
      %dma_start3A_496 = tpu.memref_slice %arg7[%dma_start3A_494, %dma_start3A_495] : memref<1000x128xf32, #tpu.memory_space<vmem_shared>> -> memref<1000x128xf32, #tpu.memory_space<vmem_shared>>
      tpu.enqueue_indirect_dma source(%dma_start3A_496 : memref<1000x128xf32, #tpu.memory_space<vmem_shared>>) target(%dma_start3A_492 : memref<128x128xf32, #tpu.memory_space<vmem>>) offsets(%dma_start3A_493 : memref<128xi32, #tpu.memory_space<vmem>>) semaphore(%arg9 : memref<!tpu.dma_semaphore, #tpu.memory_space<semaphore_mem>>)
      %dma_wait3A_497 = arith.constant 2 : i32
      %dma_wait3A_498 = arith.constant 0 : i32
      %dma_wait3A_499 = arith.constant 0 : i32
      %dma_wait3A_500 = tpu.memref_slice %arg6[%dma_wait3A_497, %dma_wait3A_498, %dma_wait3A_499] : memref<5x128x128xf32, #tpu.memory_space<vmem>> -> memref<1x128x128xf32, #tpu.memory_space<vmem>>
      %dma_wait3A_501 = tpu.memref_squeeze %dma_wait3A_500 : memref<1x128x128xf32, #tpu.memory_space<vmem>> -> memref<128x128xf32, #tpu.memory_space<vmem>>
      %dma_wait3A_502 = arith.constant 0 : i32
      %dma_wait3A_503 = tpu.memref_slice %arg4[%mul3A_2, %dma_wait3A_502] : memref<819200x128xf32, #tpu.memory_space<hbm>> -> memref<128x128xf32, #tpu.memory_space<hbm>>
      %dma_wait3A_504 = arith.constant 0 : i32
      %dma_wait3A_505 = tpu.memref_slice %arg4[%mul3A_2, %dma_wait3A_504] : memref<819200x128xf32, #tpu.memory_space<hbm>> -> memref<128x128xf32, #tpu.memory_space<hbm>>
      %dma_wait3A_506 = arith.constant 0 : i32
      %dma_wait3A_507 = arith.constant 0 : i32
      %dma_wait3A_508 = tpu.memref_slice %arg6[%dma_wait3A_497, %dma_wait3A_506, %dma_wait3A_507] : memref<5x128x128xf32, #tpu.memory_space<vmem>> -> memref<1x128x128xf32, #tpu.memory_space<vmem>>
      %dma_wait3A_509 = tpu.memref_squeeze %dma_wait3A_508 : memref<1x128x128xf32, #tpu.memory_space<vmem>> -> memref<128x128xf32, #tpu.memory_space<vmem>>
      tpu.wait_dma2 semaphore(%arg15 : memref<!tpu.dma_semaphore, #tpu.memory_space<semaphore_mem>>) src(%dma_wait3A_509 : memref<128x128xf32, #tpu.memory_space<vmem>>) dst(%dma_wait3A_505 : memref<128x128xf32, #tpu.memory_space<hbm>>)
      %add3A_510 = arith.constant 5 : i32
      %add3A_511 = arith.addi %mul3A_275, %add3A_510 : i32
      %add3A_512 = arith.constant 2 : i32
      %add3A_513 = arith.addi %add3A_511, %add3A_512 : i32
      %mul3A_514 = arith.constant 128 : i32
      %mul3A_515 = arith.muli %add3A_513, %mul3A_514 : i32
      %dma_start3A_516 = arith.constant 2 : i32
      %dma_start3A_517 = arith.constant 0 : i32
      %dma_start3A_518 = arith.constant 0 : i32
      %dma_start3A_519 = tpu.memref_slice %arg6[%dma_start3A_516, %dma_start3A_517, %dma_start3A_518] : memref<5x128x128xf32, #tpu.memory_space<vmem>> -> memref<1x128x128xf32, #tpu.memory_space<vmem>>
      %dma_start3A_520 = tpu.memref_squeeze %dma_start3A_519 : memref<1x128x128xf32, #tpu.memory_space<vmem>> -> memref<128x128xf32, #tpu.memory_space<vmem>>
      %dma_start3A_521 = tpu.memref_slice %arg5[%mul3A_515] : memref<25600xi32, #tpu.memory_space<vmem>> -> memref<128xi32, #tpu.memory_space<vmem>>
      %dma_start3A_522 = arith.constant 0 : i32
      %dma_start3A_523 = arith.constant 0 : i32
      %dma_start3A_524 = tpu.memref_slice %arg7[%dma_start3A_522, %dma_start3A_523] : memref<1000x128xf32, #tpu.memory_space<vmem_shared>> -> memref<1000x128xf32, #tpu.memory_space<vmem_shared>>
      tpu.enqueue_indirect_dma source(%dma_start3A_524 : memref<1000x128xf32, #tpu.memory_space<vmem_shared>>) target(%dma_start3A_520 : memref<128x128xf32, #tpu.memory_space<vmem>>) offsets(%dma_start3A_521 : memref<128xi32, #tpu.memory_space<vmem>>) semaphore(%arg10 : memref<!tpu.dma_semaphore, #tpu.memory_space<semaphore_mem>>)
      %dma_wait3A_525 = arith.constant 3 : i32
      %dma_wait3A_526 = arith.constant 0 : i32
      %dma_wait3A_527 = arith.constant 0 : i32
      %dma_wait3A_528 = tpu.memref_slice %arg6[%dma_wait3A_525, %dma_wait3A_526, %dma_wait3A_527] : memref<5x128x128xf32, #tpu.memory_space<vmem>> -> memref<1x128x128xf32, #tpu.memory_space<vmem>>
      %dma_wait3A_529 = tpu.memref_squeeze %dma_wait3A_528 : memref<1x128x128xf32, #tpu.memory_space<vmem>> -> memref<128x128xf32, #tpu.memory_space<vmem>>
      %dma_wait3A_530 = arith.constant 0 : i32
      %dma_wait3A_531 = tpu.memref_slice %arg4[%mul3A_2, %dma_wait3A_530] : memref<819200x128xf32, #tpu.memory_space<hbm>> -> memref<128x128xf32, #tpu.memory_space<hbm>>
      %dma_wait3A_532 = arith.constant 0 : i32
      %dma_wait3A_533 = tpu.memref_slice %arg4[%mul3A_2, %dma_wait3A_532] : memref<819200x128xf32, #tpu.memory_space<hbm>> -> memref<128x128xf32, #tpu.memory_space<hbm>>
      %dma_wait3A_534 = arith.constant 0 : i32
      %dma_wait3A_535 = arith.constant 0 : i32
      %dma_wait3A_536 = tpu.memref_slice %arg6[%dma_wait3A_525, %dma_wait3A_534, %dma_wait3A_535] : memref<5x128x128xf32, #tpu.memory_space<vmem>> -> memref<1x128x128xf32, #tpu.memory_space<vmem>>
      %dma_wait3A_537 = tpu.memref_squeeze %dma_wait3A_536 : memref<1x128x128xf32, #tpu.memory_space<vmem>> -> memref<128x128xf32, #tpu.memory_space<vmem>>
      tpu.wait_dma2 semaphore(%arg16 : memref<!tpu.dma_semaphore, #tpu.memory_space<semaphore_mem>>) src(%dma_wait3A_537 : memref<128x128xf32, #tpu.memory_space<vmem>>) dst(%dma_wait3A_533 : memref<128x128xf32, #tpu.memory_space<hbm>>)
      %add3A_538 = arith.constant 5 : i32
      %add3A_539 = arith.addi %mul3A_275, %add3A_538 : i32
      %add3A_540 = arith.constant 3 : i32
      %add3A_541 = arith.addi %add3A_539, %add3A_540 : i32
      %mul3A_542 = arith.constant 128 : i32
      %mul3A_543 = arith.muli %add3A_541, %mul3A_542 : i32
      %dma_start3A_544 = arith.constant 3 : i32
      %dma_start3A_545 = arith.constant 0 : i32
      %dma_start3A_546 = arith.constant 0 : i32
      %dma_start3A_547 = tpu.memref_slice %arg6[%dma_start3A_544, %dma_start3A_545, %dma_start3A_546] : memref<5x128x128xf32, #tpu.memory_space<vmem>> -> memref<1x128x128xf32, #tpu.memory_space<vmem>>
      %dma_start3A_548 = tpu.memref_squeeze %dma_start3A_547 : memref<1x128x128xf32, #tpu.memory_space<vmem>> -> memref<128x128xf32, #tpu.memory_space<vmem>>
      %dma_start3A_549 = tpu.memref_slice %arg5[%mul3A_543] : memref<25600xi32, #tpu.memory_space<vmem>> -> memref<128xi32, #tpu.memory_space<vmem>>
      %dma_start3A_550 = arith.constant 0 : i32
      %dma_start3A_551 = arith.constant 0 : i32
      %dma_start3A_552 = tpu.memref_slice %arg7[%dma_start3A_550, %dma_start3A_551] : memref<1000x128xf32, #tpu.memory_space<vmem_shared>> -> memref<1000x128xf32, #tpu.memory_space<vmem_shared>>
      tpu.enqueue_indirect_dma source(%dma_start3A_552 : memref<1000x128xf32, #tpu.memory_space<vmem_shared>>) target(%dma_start3A_548 : memref<128x128xf32, #tpu.memory_space<vmem>>) offsets(%dma_start3A_549 : memref<128xi32, #tpu.memory_space<vmem>>) semaphore(%arg11 : memref<!tpu.dma_semaphore, #tpu.memory_space<semaphore_mem>>)
      %dma_wait3A_553 = arith.constant 4 : i32
      %dma_wait3A_554 = arith.constant 0 : i32
      %dma_wait3A_555 = arith.constant 0 : i32
      %dma_wait3A_556 = tpu.memref_slice %arg6[%dma_wait3A_553, %dma_wait3A_554, %dma_wait3A_555] : memref<5x128x128xf32, #tpu.memory_space<vmem>> -> memref<1x128x128xf32, #tpu.memory_space<vmem>>
      %dma_wait3A_557 = tpu.memref_squeeze %dma_wait3A_556 : memref<1x128x128xf32, #tpu.memory_space<vmem>> -> memref<128x128xf32, #tpu.memory_space<vmem>>
      %dma_wait3A_558 = arith.constant 0 : i32
      %dma_wait3A_559 = tpu.memref_slice %arg4[%mul3A_2, %dma_wait3A_558] : memref<819200x128xf32, #tpu.memory_space<hbm>> -> memref<128x128xf32, #tpu.memory_space<hbm>>
      %dma_wait3A_560 = arith.constant 0 : i32
      %dma_wait3A_561 = tpu.memref_slice %arg4[%mul3A_2, %dma_wait3A_560] : memref<819200x128xf32, #tpu.memory_space<hbm>> -> memref<128x128xf32, #tpu.memory_space<hbm>>
      %dma_wait3A_562 = arith.constant 0 : i32
      %dma_wait3A_563 = arith.constant 0 : i32
      %dma_wait3A_564 = tpu.memref_slice %arg6[%dma_wait3A_553, %dma_wait3A_562, %dma_wait3A_563] : memref<5x128x128xf32, #tpu.memory_space<vmem>> -> memref<1x128x128xf32, #tpu.memory_space<vmem>>
      %dma_wait3A_565 = tpu.memref_squeeze %dma_wait3A_564 : memref<1x128x128xf32, #tpu.memory_space<vmem>> -> memref<128x128xf32, #tpu.memory_space<vmem>>
      tpu.wait_dma2 semaphore(%arg17 : memref<!tpu.dma_semaphore, #tpu.memory_space<semaphore_mem>>) src(%dma_wait3A_565 : memref<128x128xf32, #tpu.memory_space<vmem>>) dst(%dma_wait3A_561 : memref<128x128xf32, #tpu.memory_space<hbm>>)
      %add3A_566 = arith.constant 5 : i32
      %add3A_567 = arith.addi %mul3A_275, %add3A_566 : i32
      %add3A_568 = arith.constant 4 : i32
      %add3A_569 = arith.addi %add3A_567, %add3A_568 : i32
      %mul3A_570 = arith.constant 128 : i32
      %mul3A_571 = arith.muli %add3A_569, %mul3A_570 : i32
      %dma_start3A_572 = arith.constant 4 : i32
      %dma_start3A_573 = arith.constant 0 : i32
      %dma_start3A_574 = arith.constant 0 : i32
      %dma_start3A_575 = tpu.memref_slice %arg6[%dma_start3A_572, %dma_start3A_573, %dma_start3A_574] : memref<5x128x128xf32, #tpu.memory_space<vmem>> -> memref<1x128x128xf32, #tpu.memory_space<vmem>>
      %dma_start3A_576 = tpu.memref_squeeze %dma_start3A_575 : memref<1x128x128xf32, #tpu.memory_space<vmem>> -> memref<128x128xf32, #tpu.memory_space<vmem>>
      %dma_start3A_577 = tpu.memref_slice %arg5[%mul3A_571] : memref<25600xi32, #tpu.memory_space<vmem>> -> memref<128xi32, #tpu.memory_space<vmem>>
      %dma_start3A_578 = arith.constant 0 : i32
      %dma_start3A_579 = arith.constant 0 : i32
      %dma_start3A_580 = tpu.memref_slice %arg7[%dma_start3A_578, %dma_start3A_579] : memref<1000x128xf32, #tpu.memory_space<vmem_shared>> -> memref<1000x128xf32, #tpu.memory_space<vmem_shared>>
      tpu.enqueue_indirect_dma source(%dma_start3A_580 : memref<1000x128xf32, #tpu.memory_space<vmem_shared>>) target(%dma_start3A_576 : memref<128x128xf32, #tpu.memory_space<vmem>>) offsets(%dma_start3A_577 : memref<128xi32, #tpu.memory_space<vmem>>) semaphore(%arg12 : memref<!tpu.dma_semaphore, #tpu.memory_space<semaphore_mem>>)
    }
    %scan3A_58 = arith.constant 39 : i32
    %dma_wait3A = arith.constant 0 : i32
    %dma_wait3A_59 = arith.constant 0 : i32
    %dma_wait3A_60 = arith.constant 0 : i32
    %dma_wait3A_61 = tpu.memref_slice %arg6[%dma_wait3A, %dma_wait3A_59, %dma_wait3A_60] : memref<5x128x128xf32, #tpu.memory_space<vmem>> -> memref<1x128x128xf32, #tpu.memory_space<vmem>>
    %dma_wait3A_62 = tpu.memref_squeeze %dma_wait3A_61 : memref<1x128x128xf32, #tpu.memory_space<vmem>> -> memref<128x128xf32, #tpu.memory_space<vmem>>
    %dma_wait3A_63 = arith.constant 0 : i32
    %dma_wait3A_64 = arith.constant 0 : i32
    %dma_wait3A_65 = tpu.memref_slice %arg7[%dma_wait3A_63, %dma_wait3A_64] : memref<1000x128xf32, #tpu.memory_space<vmem_shared>> -> memref<128x128xf32, #tpu.memory_space<vmem_shared>>
    %dma_wait3A_66 = arith.constant 0 : i32
    %dma_wait3A_67 = arith.constant 0 : i32
    %dma_wait3A_68 = tpu.memref_slice %arg6[%dma_wait3A, %dma_wait3A_66, %dma_wait3A_67] : memref<5x128x128xf32, #tpu.memory_space<vmem>> -> memref<1x128x128xf32, #tpu.memory_space<vmem>>
    %dma_wait3A_69 = tpu.memref_squeeze %dma_wait3A_68 : memref<1x128x128xf32, #tpu.memory_space<vmem>> -> memref<128x128xf32, #tpu.memory_space<vmem>>
    %dma_wait3A_70 = arith.constant 0 : i32
    %dma_wait3A_71 = arith.constant 0 : i32
    %dma_wait3A_72 = tpu.memref_slice %arg7[%dma_wait3A_70, %dma_wait3A_71] : memref<1000x128xf32, #tpu.memory_space<vmem_shared>> -> memref<128x128xf32, #tpu.memory_space<vmem_shared>>
    tpu.wait_dma2 semaphore(%arg8 : memref<!tpu.dma_semaphore, #tpu.memory_space<semaphore_mem>>) src(%dma_wait3A_72 : memref<128x128xf32, #tpu.memory_space<vmem_shared>>) dst(%dma_wait3A_69 : memref<128x128xf32, #tpu.memory_space<vmem>>)
    %add3A_73 = arith.constant 24960 : i32
    %add3A_74 = arith.addi %mul3A_2, %add3A_73 : i32
    %dma_start3A_75 = arith.constant 0 : i32
    %dma_start3A_76 = arith.constant 0 : i32
    %dma_start3A_77 = arith.constant 0 : i32
    %dma_start3A_78 = tpu.memref_slice %arg6[%dma_start3A_75, %dma_start3A_76, %dma_start3A_77] : memref<5x128x128xf32, #tpu.memory_space<vmem>> -> memref<1x128x128xf32, #tpu.memory_space<vmem>>
    %dma_start3A_79 = tpu.memref_squeeze %dma_start3A_78 : memref<1x128x128xf32, #tpu.memory_space<vmem>> -> memref<128x128xf32, #tpu.memory_space<vmem>>
    %dma_start3A_80 = arith.constant 0 : i32
    %dma_start3A_81 = tpu.memref_slice %arg4[%add3A_74, %dma_start3A_80] : memref<819200x128xf32, #tpu.memory_space<hbm>> -> memref<128x128xf32, #tpu.memory_space<hbm>>
    %dma_start3A_82 = arith.constant 0 : i32
    %dma_start3A_83 = tpu.memref_slice %arg4[%add3A_74, %dma_start3A_82] : memref<819200x128xf32, #tpu.memory_space<hbm>> -> memref<128x128xf32, #tpu.memory_space<hbm>>
    %dma_start3A_84 = arith.constant 0 : i32
    %dma_start3A_85 = arith.constant 0 : i32
    %dma_start3A_86 = tpu.memref_slice %arg6[%dma_start3A_75, %dma_start3A_84, %dma_start3A_85] : memref<5x128x128xf32, #tpu.memory_space<vmem>> -> memref<1x128x128xf32, #tpu.memory_space<vmem>>
    %dma_start3A_87 = tpu.memref_squeeze %dma_start3A_86 : memref<1x128x128xf32, #tpu.memory_space<vmem>> -> memref<128x128xf32, #tpu.memory_space<vmem>>
    tpu.enqueue_dma source(%dma_start3A_87 : memref<128x128xf32, #tpu.memory_space<vmem>>) target(%dma_start3A_83 : memref<128x128xf32, #tpu.memory_space<hbm>>) target_semaphore(%arg13 : memref<!tpu.dma_semaphore, #tpu.memory_space<semaphore_mem>>)
    %dma_wait3A_88 = arith.constant 1 : i32
    %dma_wait3A_89 = arith.constant 0 : i32
    %dma_wait3A_90 = arith.constant 0 : i32
    %dma_wait3A_91 = tpu.memref_slice %arg6[%dma_wait3A_88, %dma_wait3A_89, %dma_wait3A_90] : memref<5x128x128xf32, #tpu.memory_space<vmem>> -> memref<1x128x128xf32, #tpu.memory_space<vmem>>
    %dma_wait3A_92 = tpu.memref_squeeze %dma_wait3A_91 : memref<1x128x128xf32, #tpu.memory_space<vmem>> -> memref<128x128xf32, #tpu.memory_space<vmem>>
    %dma_wait3A_93 = arith.constant 0 : i32
    %dma_wait3A_94 = arith.constant 0 : i32
    %dma_wait3A_95 = tpu.memref_slice %arg7[%dma_wait3A_93, %dma_wait3A_94] : memref<1000x128xf32, #tpu.memory_space<vmem_shared>> -> memref<128x128xf32, #tpu.memory_space<vmem_shared>>
    %dma_wait3A_96 = arith.constant 0 : i32
    %dma_wait3A_97 = arith.constant 0 : i32
    %dma_wait3A_98 = tpu.memref_slice %arg6[%dma_wait3A_88, %dma_wait3A_96, %dma_wait3A_97] : memref<5x128x128xf32, #tpu.memory_space<vmem>> -> memref<1x128x128xf32, #tpu.memory_space<vmem>>
    %dma_wait3A_99 = tpu.memref_squeeze %dma_wait3A_98 : memref<1x128x128xf32, #tpu.memory_space<vmem>> -> memref<128x128xf32, #tpu.memory_space<vmem>>
    %dma_wait3A_100 = arith.constant 0 : i32
    %dma_wait3A_101 = arith.constant 0 : i32
    %dma_wait3A_102 = tpu.memref_slice %arg7[%dma_wait3A_100, %dma_wait3A_101] : memref<1000x128xf32, #tpu.memory_space<vmem_shared>> -> memref<128x128xf32, #tpu.memory_space<vmem_shared>>
    tpu.wait_dma2 semaphore(%arg9 : memref<!tpu.dma_semaphore, #tpu.memory_space<semaphore_mem>>) src(%dma_wait3A_102 : memref<128x128xf32, #tpu.memory_space<vmem_shared>>) dst(%dma_wait3A_99 : memref<128x128xf32, #tpu.memory_space<vmem>>)
    %add3A_103 = arith.constant 25088 : i32
    %add3A_104 = arith.addi %mul3A_2, %add3A_103 : i32
    %dma_start3A_105 = arith.constant 1 : i32
    %dma_start3A_106 = arith.constant 0 : i32
    %dma_start3A_107 = arith.constant 0 : i32
    %dma_start3A_108 = tpu.memref_slice %arg6[%dma_start3A_105, %dma_start3A_106, %dma_start3A_107] : memref<5x128x128xf32, #tpu.memory_space<vmem>> -> memref<1x128x128xf32, #tpu.memory_space<vmem>>
    %dma_start3A_109 = tpu.memref_squeeze %dma_start3A_108 : memref<1x128x128xf32, #tpu.memory_space<vmem>> -> memref<128x128xf32, #tpu.memory_space<vmem>>
    %dma_start3A_110 = arith.constant 0 : i32
    %dma_start3A_111 = tpu.memref_slice %arg4[%add3A_104, %dma_start3A_110] : memref<819200x128xf32, #tpu.memory_space<hbm>> -> memref<128x128xf32, #tpu.memory_space<hbm>>
    %dma_start3A_112 = arith.constant 0 : i32
    %dma_start3A_113 = tpu.memref_slice %arg4[%add3A_104, %dma_start3A_112] : memref<819200x128xf32, #tpu.memory_space<hbm>> -> memref<128x128xf32, #tpu.memory_space<hbm>>
    %dma_start3A_114 = arith.constant 0 : i32
    %dma_start3A_115 = arith.constant 0 : i32
    %dma_start3A_116 = tpu.memref_slice %arg6[%dma_start3A_105, %dma_start3A_114, %dma_start3A_115] : memref<5x128x128xf32, #tpu.memory_space<vmem>> -> memref<1x128x128xf32, #tpu.memory_space<vmem>>
    %dma_start3A_117 = tpu.memref_squeeze %dma_start3A_116 : memref<1x128x128xf32, #tpu.memory_space<vmem>> -> memref<128x128xf32, #tpu.memory_space<vmem>>
    tpu.enqueue_dma source(%dma_start3A_117 : memref<128x128xf32, #tpu.memory_space<vmem>>) target(%dma_start3A_113 : memref<128x128xf32, #tpu.memory_space<hbm>>) target_semaphore(%arg14 : memref<!tpu.dma_semaphore, #tpu.memory_space<semaphore_mem>>)
    %dma_wait3A_118 = arith.constant 2 : i32
    %dma_wait3A_119 = arith.constant 0 : i32
    %dma_wait3A_120 = arith.constant 0 : i32
    %dma_wait3A_121 = tpu.memref_slice %arg6[%dma_wait3A_118, %dma_wait3A_119, %dma_wait3A_120] : memref<5x128x128xf32, #tpu.memory_space<vmem>> -> memref<1x128x128xf32, #tpu.memory_space<vmem>>
    %dma_wait3A_122 = tpu.memref_squeeze %dma_wait3A_121 : memref<1x128x128xf32, #tpu.memory_space<vmem>> -> memref<128x128xf32, #tpu.memory_space<vmem>>
    %dma_wait3A_123 = arith.constant 0 : i32
    %dma_wait3A_124 = arith.constant 0 : i32
    %dma_wait3A_125 = tpu.memref_slice %arg7[%dma_wait3A_123, %dma_wait3A_124] : memref<1000x128xf32, #tpu.memory_space<vmem_shared>> -> memref<128x128xf32, #tpu.memory_space<vmem_shared>>
    %dma_wait3A_126 = arith.constant 0 : i32
    %dma_wait3A_127 = arith.constant 0 : i32
    %dma_wait3A_128 = tpu.memref_slice %arg6[%dma_wait3A_118, %dma_wait3A_126, %dma_wait3A_127] : memref<5x128x128xf32, #tpu.memory_space<vmem>> -> memref<1x128x128xf32, #tpu.memory_space<vmem>>
    %dma_wait3A_129 = tpu.memref_squeeze %dma_wait3A_128 : memref<1x128x128xf32, #tpu.memory_space<vmem>> -> memref<128x128xf32, #tpu.memory_space<vmem>>
    %dma_wait3A_130 = arith.constant 0 : i32
    %dma_wait3A_131 = arith.constant 0 : i32
    %dma_wait3A_132 = tpu.memref_slice %arg7[%dma_wait3A_130, %dma_wait3A_131] : memref<1000x128xf32, #tpu.memory_space<vmem_shared>> -> memref<128x128xf32, #tpu.memory_space<vmem_shared>>
    tpu.wait_dma2 semaphore(%arg10 : memref<!tpu.dma_semaphore, #tpu.memory_space<semaphore_mem>>) src(%dma_wait3A_132 : memref<128x128xf32, #tpu.memory_space<vmem_shared>>) dst(%dma_wait3A_129 : memref<128x128xf32, #tpu.memory_space<vmem>>)
    %add3A_133 = arith.constant 25216 : i32
    %add3A_134 = arith.addi %mul3A_2, %add3A_133 : i32
    %dma_start3A_135 = arith.constant 2 : i32
    %dma_start3A_136 = arith.constant 0 : i32
    %dma_start3A_137 = arith.constant 0 : i32
    %dma_start3A_138 = tpu.memref_slice %arg6[%dma_start3A_135, %dma_start3A_136, %dma_start3A_137] : memref<5x128x128xf32, #tpu.memory_space<vmem>> -> memref<1x128x128xf32, #tpu.memory_space<vmem>>
    %dma_start3A_139 = tpu.memref_squeeze %dma_start3A_138 : memref<1x128x128xf32, #tpu.memory_space<vmem>> -> memref<128x128xf32, #tpu.memory_space<vmem>>
    %dma_start3A_140 = arith.constant 0 : i32
    %dma_start3A_141 = tpu.memref_slice %arg4[%add3A_134, %dma_start3A_140] : memref<819200x128xf32, #tpu.memory_space<hbm>> -> memref<128x128xf32, #tpu.memory_space<hbm>>
    %dma_start3A_142 = arith.constant 0 : i32
    %dma_start3A_143 = tpu.memref_slice %arg4[%add3A_134, %dma_start3A_142] : memref<819200x128xf32, #tpu.memory_space<hbm>> -> memref<128x128xf32, #tpu.memory_space<hbm>>
    %dma_start3A_144 = arith.constant 0 : i32
    %dma_start3A_145 = arith.constant 0 : i32
    %dma_start3A_146 = tpu.memref_slice %arg6[%dma_start3A_135, %dma_start3A_144, %dma_start3A_145] : memref<5x128x128xf32, #tpu.memory_space<vmem>> -> memref<1x128x128xf32, #tpu.memory_space<vmem>>
    %dma_start3A_147 = tpu.memref_squeeze %dma_start3A_146 : memref<1x128x128xf32, #tpu.memory_space<vmem>> -> memref<128x128xf32, #tpu.memory_space<vmem>>
    tpu.enqueue_dma source(%dma_start3A_147 : memref<128x128xf32, #tpu.memory_space<vmem>>) target(%dma_start3A_143 : memref<128x128xf32, #tpu.memory_space<hbm>>) target_semaphore(%arg15 : memref<!tpu.dma_semaphore, #tpu.memory_space<semaphore_mem>>)
    %dma_wait3A_148 = arith.constant 3 : i32
    %dma_wait3A_149 = arith.constant 0 : i32
    %dma_wait3A_150 = arith.constant 0 : i32
    %dma_wait3A_151 = tpu.memref_slice %arg6[%dma_wait3A_148, %dma_wait3A_149, %dma_wait3A_150] : memref<5x128x128xf32, #tpu.memory_space<vmem>> -> memref<1x128x128xf32, #tpu.memory_space<vmem>>
    %dma_wait3A_152 = tpu.memref_squeeze %dma_wait3A_151 : memref<1x128x128xf32, #tpu.memory_space<vmem>> -> memref<128x128xf32, #tpu.memory_space<vmem>>
    %dma_wait3A_153 = arith.constant 0 : i32
    %dma_wait3A_154 = arith.constant 0 : i32
    %dma_wait3A_155 = tpu.memref_slice %arg7[%dma_wait3A_153, %dma_wait3A_154] : memref<1000x128xf32, #tpu.memory_space<vmem_shared>> -> memref<128x128xf32, #tpu.memory_space<vmem_shared>>
    %dma_wait3A_156 = arith.constant 0 : i32
    %dma_wait3A_157 = arith.constant 0 : i32
    %dma_wait3A_158 = tpu.memref_slice %arg6[%dma_wait3A_148, %dma_wait3A_156, %dma_wait3A_157] : memref<5x128x128xf32, #tpu.memory_space<vmem>> -> memref<1x128x128xf32, #tpu.memory_space<vmem>>
    %dma_wait3A_159 = tpu.memref_squeeze %dma_wait3A_158 : memref<1x128x128xf32, #tpu.memory_space<vmem>> -> memref<128x128xf32, #tpu.memory_space<vmem>>
    %dma_wait3A_160 = arith.constant 0 : i32
    %dma_wait3A_161 = arith.constant 0 : i32
    %dma_wait3A_162 = tpu.memref_slice %arg7[%dma_wait3A_160, %dma_wait3A_161] : memref<1000x128xf32, #tpu.memory_space<vmem_shared>> -> memref<128x128xf32, #tpu.memory_space<vmem_shared>>
    tpu.wait_dma2 semaphore(%arg11 : memref<!tpu.dma_semaphore, #tpu.memory_space<semaphore_mem>>) src(%dma_wait3A_162 : memref<128x128xf32, #tpu.memory_space<vmem_shared>>) dst(%dma_wait3A_159 : memref<128x128xf32, #tpu.memory_space<vmem>>)
    %add3A_163 = arith.constant 25344 : i32
    %add3A_164 = arith.addi %mul3A_2, %add3A_163 : i32
    %dma_start3A_165 = arith.constant 3 : i32
    %dma_start3A_166 = arith.constant 0 : i32
    %dma_start3A_167 = arith.constant 0 : i32
    %dma_start3A_168 = tpu.memref_slice %arg6[%dma_start3A_165, %dma_start3A_166, %dma_start3A_167] : memref<5x128x128xf32, #tpu.memory_space<vmem>> -> memref<1x128x128xf32, #tpu.memory_space<vmem>>
    %dma_start3A_169 = tpu.memref_squeeze %dma_start3A_168 : memref<1x128x128xf32, #tpu.memory_space<vmem>> -> memref<128x128xf32, #tpu.memory_space<vmem>>
    %dma_start3A_170 = arith.constant 0 : i32
    %dma_start3A_171 = tpu.memref_slice %arg4[%add3A_164, %dma_start3A_170] : memref<819200x128xf32, #tpu.memory_space<hbm>> -> memref<128x128xf32, #tpu.memory_space<hbm>>
    %dma_start3A_172 = arith.constant 0 : i32
    %dma_start3A_173 = tpu.memref_slice %arg4[%add3A_164, %dma_start3A_172] : memref<819200x128xf32, #tpu.memory_space<hbm>> -> memref<128x128xf32, #tpu.memory_space<hbm>>
    %dma_start3A_174 = arith.constant 0 : i32
    %dma_start3A_175 = arith.constant 0 : i32
    %dma_start3A_176 = tpu.memref_slice %arg6[%dma_start3A_165, %dma_start3A_174, %dma_start3A_175] : memref<5x128x128xf32, #tpu.memory_space<vmem>> -> memref<1x128x128xf32, #tpu.memory_space<vmem>>
    %dma_start3A_177 = tpu.memref_squeeze %dma_start3A_176 : memref<1x128x128xf32, #tpu.memory_space<vmem>> -> memref<128x128xf32, #tpu.memory_space<vmem>>
    tpu.enqueue_dma source(%dma_start3A_177 : memref<128x128xf32, #tpu.memory_space<vmem>>) target(%dma_start3A_173 : memref<128x128xf32, #tpu.memory_space<hbm>>) target_semaphore(%arg16 : memref<!tpu.dma_semaphore, #tpu.memory_space<semaphore_mem>>)
    %dma_wait3A_178 = arith.constant 4 : i32
    %dma_wait3A_179 = arith.constant 0 : i32
    %dma_wait3A_180 = arith.constant 0 : i32
    %dma_wait3A_181 = tpu.memref_slice %arg6[%dma_wait3A_178, %dma_wait3A_179, %dma_wait3A_180] : memref<5x128x128xf32, #tpu.memory_space<vmem>> -> memref<1x128x128xf32, #tpu.memory_space<vmem>>
    %dma_wait3A_182 = tpu.memref_squeeze %dma_wait3A_181 : memref<1x128x128xf32, #tpu.memory_space<vmem>> -> memref<128x128xf32, #tpu.memory_space<vmem>>
    %dma_wait3A_183 = arith.constant 0 : i32
    %dma_wait3A_184 = arith.constant 0 : i32
    %dma_wait3A_185 = tpu.memref_slice %arg7[%dma_wait3A_183, %dma_wait3A_184] : memref<1000x128xf32, #tpu.memory_space<vmem_shared>> -> memref<128x128xf32, #tpu.memory_space<vmem_shared>>
    %dma_wait3A_186 = arith.constant 0 : i32
    %dma_wait3A_187 = arith.constant 0 : i32
    %dma_wait3A_188 = tpu.memref_slice %arg6[%dma_wait3A_178, %dma_wait3A_186, %dma_wait3A_187] : memref<5x128x128xf32, #tpu.memory_space<vmem>> -> memref<1x128x128xf32, #tpu.memory_space<vmem>>
    %dma_wait3A_189 = tpu.memref_squeeze %dma_wait3A_188 : memref<1x128x128xf32, #tpu.memory_space<vmem>> -> memref<128x128xf32, #tpu.memory_space<vmem>>
    %dma_wait3A_190 = arith.constant 0 : i32
    %dma_wait3A_191 = arith.constant 0 : i32
    %dma_wait3A_192 = tpu.memref_slice %arg7[%dma_wait3A_190, %dma_wait3A_191] : memref<1000x128xf32, #tpu.memory_space<vmem_shared>> -> memref<128x128xf32, #tpu.memory_space<vmem_shared>>
    tpu.wait_dma2 semaphore(%arg12 : memref<!tpu.dma_semaphore, #tpu.memory_space<semaphore_mem>>) src(%dma_wait3A_192 : memref<128x128xf32, #tpu.memory_space<vmem_shared>>) dst(%dma_wait3A_189 : memref<128x128xf32, #tpu.memory_space<vmem>>)
    %add3A_193 = arith.constant 25472 : i32
    %add3A_194 = arith.addi %mul3A_2, %add3A_193 : i32
    %dma_start3A_195 = arith.constant 4 : i32
    %dma_start3A_196 = arith.constant 0 : i32
    %dma_start3A_197 = arith.constant 0 : i32
    %dma_start3A_198 = tpu.memref_slice %arg6[%dma_start3A_195, %dma_start3A_196, %dma_start3A_197] : memref<5x128x128xf32, #tpu.memory_space<vmem>> -> memref<1x128x128xf32, #tpu.memory_space<vmem>>
    %dma_start3A_199 = tpu.memref_squeeze %dma_start3A_198 : memref<1x128x128xf32, #tpu.memory_space<vmem>> -> memref<128x128xf32, #tpu.memory_space<vmem>>
    %dma_start3A_200 = arith.constant 0 : i32
    %dma_start3A_201 = tpu.memref_slice %arg4[%add3A_194, %dma_start3A_200] : memref<819200x128xf32, #tpu.memory_space<hbm>> -> memref<128x128xf32, #tpu.memory_space<hbm>>
    %dma_start3A_202 = arith.constant 0 : i32
    %dma_start3A_203 = tpu.memref_slice %arg4[%add3A_194, %dma_start3A_202] : memref<819200x128xf32, #tpu.memory_space<hbm>> -> memref<128x128xf32, #tpu.memory_space<hbm>>
    %dma_start3A_204 = arith.constant 0 : i32
    %dma_start3A_205 = arith.constant 0 : i32
    %dma_start3A_206 = tpu.memref_slice %arg6[%dma_start3A_195, %dma_start3A_204, %dma_start3A_205] : memref<5x128x128xf32, #tpu.memory_space<vmem>> -> memref<1x128x128xf32, #tpu.memory_space<vmem>>
    %dma_start3A_207 = tpu.memref_squeeze %dma_start3A_206 : memref<1x128x128xf32, #tpu.memory_space<vmem>> -> memref<128x128xf32, #tpu.memory_space<vmem>>
    tpu.enqueue_dma source(%dma_start3A_207 : memref<128x128xf32, #tpu.memory_space<vmem>>) target(%dma_start3A_203 : memref<128x128xf32, #tpu.memory_space<hbm>>) target_semaphore(%arg17 : memref<!tpu.dma_semaphore, #tpu.memory_space<semaphore_mem>>)
    %dma_wait3A_208 = arith.constant 0 : i32
    %dma_wait3A_209 = arith.constant 0 : i32
    %dma_wait3A_210 = arith.constant 0 : i32
    %dma_wait3A_211 = tpu.memref_slice %arg6[%dma_wait3A_208, %dma_wait3A_209, %dma_wait3A_210] : memref<5x128x128xf32, #tpu.memory_space<vmem>> -> memref<1x128x128xf32, #tpu.memory_space<vmem>>
    %dma_wait3A_212 = tpu.memref_squeeze %dma_wait3A_211 : memref<1x128x128xf32, #tpu.memory_space<vmem>> -> memref<128x128xf32, #tpu.memory_space<vmem>>
    %dma_wait3A_213 = arith.constant 0 : i32
    %dma_wait3A_214 = tpu.memref_slice %arg4[%mul3A_2, %dma_wait3A_213] : memref<819200x128xf32, #tpu.memory_space<hbm>> -> memref<128x128xf32, #tpu.memory_space<hbm>>
    %dma_wait3A_215 = arith.constant 0 : i32
    %dma_wait3A_216 = tpu.memref_slice %arg4[%mul3A_2, %dma_wait3A_215] : memref<819200x128xf32, #tpu.memory_space<hbm>> -> memref<128x128xf32, #tpu.memory_space<hbm>>
    %dma_wait3A_217 = arith.constant 0 : i32
    %dma_wait3A_218 = arith.constant 0 : i32
    %dma_wait3A_219 = tpu.memref_slice %arg6[%dma_wait3A_208, %dma_wait3A_217, %dma_wait3A_218] : memref<5x128x128xf32, #tpu.memory_space<vmem>> -> memref<1x128x128xf32, #tpu.memory_space<vmem>>
    %dma_wait3A_220 = tpu.memref_squeeze %dma_wait3A_219 : memref<1x128x128xf32, #tpu.memory_space<vmem>> -> memref<128x128xf32, #tpu.memory_space<vmem>>
    tpu.wait_dma2 semaphore(%arg13 : memref<!tpu.dma_semaphore, #tpu.memory_space<semaphore_mem>>) src(%dma_wait3A_220 : memref<128x128xf32, #tpu.memory_space<vmem>>) dst(%dma_wait3A_216 : memref<128x128xf32, #tpu.memory_space<hbm>>)
    %dma_wait3A_221 = arith.constant 1 : i32
    %dma_wait3A_222 = arith.constant 0 : i32
    %dma_wait3A_223 = arith.constant 0 : i32
    %dma_wait3A_224 = tpu.memref_slice %arg6[%dma_wait3A_221, %dma_wait3A_222, %dma_wait3A_223] : memref<5x128x128xf32, #tpu.memory_space<vmem>> -> memref<1x128x128xf32, #tpu.memory_space<vmem>>
    %dma_wait3A_225 = tpu.memref_squeeze %dma_wait3A_224 : memref<1x128x128xf32, #tpu.memory_space<vmem>> -> memref<128x128xf32, #tpu.memory_space<vmem>>
    %dma_wait3A_226 = arith.constant 0 : i32
    %dma_wait3A_227 = tpu.memref_slice %arg4[%mul3A_2, %dma_wait3A_226] : memref<819200x128xf32, #tpu.memory_space<hbm>> -> memref<128x128xf32, #tpu.memory_space<hbm>>
    %dma_wait3A_228 = arith.constant 0 : i32
    %dma_wait3A_229 = tpu.memref_slice %arg4[%mul3A_2, %dma_wait3A_228] : memref<819200x128xf32, #tpu.memory_space<hbm>> -> memref<128x128xf32, #tpu.memory_space<hbm>>
    %dma_wait3A_230 = arith.constant 0 : i32
    %dma_wait3A_231 = arith.constant 0 : i32
    %dma_wait3A_232 = tpu.memref_slice %arg6[%dma_wait3A_221, %dma_wait3A_230, %dma_wait3A_231] : memref<5x128x128xf32, #tpu.memory_space<vmem>> -> memref<1x128x128xf32, #tpu.memory_space<vmem>>
    %dma_wait3A_233 = tpu.memref_squeeze %dma_wait3A_232 : memref<1x128x128xf32, #tpu.memory_space<vmem>> -> memref<128x128xf32, #tpu.memory_space<vmem>>
    tpu.wait_dma2 semaphore(%arg14 : memref<!tpu.dma_semaphore, #tpu.memory_space<semaphore_mem>>) src(%dma_wait3A_233 : memref<128x128xf32, #tpu.memory_space<vmem>>) dst(%dma_wait3A_229 : memref<128x128xf32, #tpu.memory_space<hbm>>)
    %dma_wait3A_234 = arith.constant 2 : i32
    %dma_wait3A_235 = arith.constant 0 : i32
    %dma_wait3A_236 = arith.constant 0 : i32
    %dma_wait3A_237 = tpu.memref_slice %arg6[%dma_wait3A_234, %dma_wait3A_235, %dma_wait3A_236] : memref<5x128x128xf32, #tpu.memory_space<vmem>> -> memref<1x128x128xf32, #tpu.memory_space<vmem>>
    %dma_wait3A_238 = tpu.memref_squeeze %dma_wait3A_237 : memref<1x128x128xf32, #tpu.memory_space<vmem>> -> memref<128x128xf32, #tpu.memory_space<vmem>>
    %dma_wait3A_239 = arith.constant 0 : i32
    %dma_wait3A_240 = tpu.memref_slice %arg4[%mul3A_2, %dma_wait3A_239] : memref<819200x128xf32, #tpu.memory_space<hbm>> -> memref<128x128xf32, #tpu.memory_space<hbm>>
    %dma_wait3A_241 = arith.constant 0 : i32
    %dma_wait3A_242 = tpu.memref_slice %arg4[%mul3A_2, %dma_wait3A_241] : memref<819200x128xf32, #tpu.memory_space<hbm>> -> memref<128x128xf32, #tpu.memory_space<hbm>>
    %dma_wait3A_243 = arith.constant 0 : i32
    %dma_wait3A_244 = arith.constant 0 : i32
    %dma_wait3A_245 = tpu.memref_slice %arg6[%dma_wait3A_234, %dma_wait3A_243, %dma_wait3A_244] : memref<5x128x128xf32, #tpu.memory_space<vmem>> -> memref<1x128x128xf32, #tpu.memory_space<vmem>>
    %dma_wait3A_246 = tpu.memref_squeeze %dma_wait3A_245 : memref<1x128x128xf32, #tpu.memory_space<vmem>> -> memref<128x128xf32, #tpu.memory_space<vmem>>
    tpu.wait_dma2 semaphore(%arg15 : memref<!tpu.dma_semaphore, #tpu.memory_space<semaphore_mem>>) src(%dma_wait3A_246 : memref<128x128xf32, #tpu.memory_space<vmem>>) dst(%dma_wait3A_242 : memref<128x128xf32, #tpu.memory_space<hbm>>)
    %dma_wait3A_247 = arith.constant 3 : i32
    %dma_wait3A_248 = arith.constant 0 : i32
    %dma_wait3A_249 = arith.constant 0 : i32
    %dma_wait3A_250 = tpu.memref_slice %arg6[%dma_wait3A_247, %dma_wait3A_248, %dma_wait3A_249] : memref<5x128x128xf32, #tpu.memory_space<vmem>> -> memref<1x128x128xf32, #tpu.memory_space<vmem>>
    %dma_wait3A_251 = tpu.memref_squeeze %dma_wait3A_250 : memref<1x128x128xf32, #tpu.memory_space<vmem>> -> memref<128x128xf32, #tpu.memory_space<vmem>>
    %dma_wait3A_252 = arith.constant 0 : i32
    %dma_wait3A_253 = tpu.memref_slice %arg4[%mul3A_2, %dma_wait3A_252] : memref<819200x128xf32, #tpu.memory_space<hbm>> -> memref<128x128xf32, #tpu.memory_space<hbm>>
    %dma_wait3A_254 = arith.constant 0 : i32
    %dma_wait3A_255 = tpu.memref_slice %arg4[%mul3A_2, %dma_wait3A_254] : memref<819200x128xf32, #tpu.memory_space<hbm>> -> memref<128x128xf32, #tpu.memory_space<hbm>>
    %dma_wait3A_256 = arith.constant 0 : i32
    %dma_wait3A_257 = arith.constant 0 : i32
    %dma_wait3A_258 = tpu.memref_slice %arg6[%dma_wait3A_247, %dma_wait3A_256, %dma_wait3A_257] : memref<5x128x128xf32, #tpu.memory_space<vmem>> -> memref<1x128x128xf32, #tpu.memory_space<vmem>>
    %dma_wait3A_259 = tpu.memref_squeeze %dma_wait3A_258 : memref<1x128x128xf32, #tpu.memory_space<vmem>> -> memref<128x128xf32, #tpu.memory_space<vmem>>
    tpu.wait_dma2 semaphore(%arg16 : memref<!tpu.dma_semaphore, #tpu.memory_space<semaphore_mem>>) src(%dma_wait3A_259 : memref<128x128xf32, #tpu.memory_space<vmem>>) dst(%dma_wait3A_255 : memref<128x128xf32, #tpu.memory_space<hbm>>)
    %dma_wait3A_260 = arith.constant 4 : i32
    %dma_wait3A_261 = arith.constant 0 : i32
    %dma_wait3A_262 = arith.constant 0 : i32
    %dma_wait3A_263 = tpu.memref_slice %arg6[%dma_wait3A_260, %dma_wait3A_261, %dma_wait3A_262] : memref<5x128x128xf32, #tpu.memory_space<vmem>> -> memref<1x128x128xf32, #tpu.memory_space<vmem>>
    %dma_wait3A_264 = tpu.memref_squeeze %dma_wait3A_263 : memref<1x128x128xf32, #tpu.memory_space<vmem>> -> memref<128x128xf32, #tpu.memory_space<vmem>>
    %dma_wait3A_265 = arith.constant 0 : i32
    %dma_wait3A_266 = tpu.memref_slice %arg4[%mul3A_2, %dma_wait3A_265] : memref<819200x128xf32, #tpu.memory_space<hbm>> -> memref<128x128xf32, #tpu.memory_space<hbm>>
    %dma_wait3A_267 = arith.constant 0 : i32
    %dma_wait3A_268 = tpu.memref_slice %arg4[%mul3A_2, %dma_wait3A_267] : memref<819200x128xf32, #tpu.memory_space<hbm>> -> memref<128x128xf32, #tpu.memory_space<hbm>>
    %dma_wait3A_269 = arith.constant 0 : i32
    %dma_wait3A_270 = arith.constant 0 : i32
    %dma_wait3A_271 = tpu.memref_slice %arg6[%dma_wait3A_260, %dma_wait3A_269, %dma_wait3A_270] : memref<5x128x128xf32, #tpu.memory_space<vmem>> -> memref<1x128x128xf32, #tpu.memory_space<vmem>>
    %dma_wait3A_272 = tpu.memref_squeeze %dma_wait3A_271 : memref<1x128x128xf32, #tpu.memory_space<vmem>> -> memref<128x128xf32, #tpu.memory_space<vmem>>
    tpu.wait_dma2 semaphore(%arg17 : memref<!tpu.dma_semaphore, #tpu.memory_space<semaphore_mem>>) src(%dma_wait3A_272 : memref<128x128xf32, #tpu.memory_space<vmem>>) dst(%dma_wait3A_268 : memref<128x128xf32, #tpu.memory_space<hbm>>)
    return
  }
}

</mosaic_0001>

<sc_bundles>
// kernel: _gather_flat.3.cloned.1.call-start
scs
__scs_entry_jumppad:
0x0: {  	(pc) =	sbr.rel $0x88, $3  }
0x1: {  	(tag) =	ssettag $0x0;
	lr =	simm.s32 $0x1  }
0x2: {  	[smem:$0x3F9F] =	sst lr;
	_ =	strace $0xD0000000  }
0x3: {  	_ = 	snop  }
0x4: {  	_ = 	snop  }
0x5: {  	_ = 	snop  }
0x6: {  	_ = 	snop  }
0x7: {  	_ = 	snop  }
__scs_overlays_trampoline_lowered:
0x8: {  	[smem:$0x3FAE] =	sst s0  }
0x9: {  	[smem:$0x3FAF] =	sst s1  }
0xa: {  	[smem:$0x3FB0] =	sst s2  }
0xb: {  	[smem:$0x3FB1] =	sst s3  }
0xc: {  	[smem:$0x3FB2] =	sst s4  }
0xd: {  	[smem:$0x3FB3] =	sst s5  }
0xe: {  	[smem:$0x3FB4] =	sst s6  }
0xf: {  	[smem:$0x3FB5] =	sst s7  }
0x10: {  	[smem:$0x3FB6] =	sst s8  }
0x11: {  	[smem:$0x3FB7] =	sst s9;
	s0 =	simm.s32 @!p0 $0x0  }
0x12: {  	s1 =	sld [smem:$0x3F9D];
	s0 =	simm.s32 @p0 $0x1  }
0x13: {  	[smem:$0x3FB8] =	sst s0;
	s0 =	simm.s32 @!p1 $0x0  }
0x14: {  	s2 =	sld [smem:$0x3F9C];
	s0 =	simm.s32 @p1 $0x1  }
0x15: {  	[smem:$0x3FB9] =	sst s0;
	s0 =	simm.s32 @!p2 $0x0  }
0x16: {  	s3 =	sld [smem:$0x3FDB];
	s0 =	simm.s32 @p2 $0x1  }
0x17: {  	s4 =	simm.s32 $0x1BF5;
	[smem:$0x3FBB] =	sst s0  }
0x18: {  	s0 =	sld [smem:$0x3F9E];
	_ =	swait.ge [sflag:s4], $0x0  }
0x19: {  	s7 =	sld [smem:$0x3F9F]  }
0x1a: {  	s8 =	sadd.s32 $0xFFFFE003, lr  }
0x1b: {  	s9 =	sadd.s32 $0xFFFFFEF7, lr;
	s5 =	simm.s32 $0xFFFFFFFF;
	p2 =	slt.u32 s8, $0xFFFFF086  }
0x1c: {  	p1 =	slt.u32 s9, $0xF7A;
	s5 =	simm.s32 @!p2 $0x0  }
0x1d: {  	s5 =	simm.s32 @p1 $0x1;
	p0 =	seq.s32 s7, s2  }
0x1e: {  	s7 =	smul.u32 @!p0 $0xF7A, s2;
	p2 =	seq.s32 @!p0 s5, $0x0  }
0x1f: {  	s9 =	smul.u32 $0xF7A, s1;
	s8 =	simm.s32 @!p0 $0x1BF5;
	p2 =	por !p2, p0  }
0x20: {  	[sflag:s8] =	ssyncset.s32 @!p0 $0xFFFFF086;
	s6 =	sadd.s32 @!p0 s3, s7;
	s7 =	simm.s32 @!p0 $0x108  }
0x21: {  	s3 =	sadd.s32 s3, s9;
	s6 =	sadd.s32 @!p0 $0x88, s6;
	s7 =	simm.s32 @p2 $0x1082  }
0x22: {  	[simem:s7], [sflag:s8] =	dma.local @!p0 [hbm:s6], $0xF7A  }
0x23: {  	s9 =	sor.u32 $0xD0000000, s2;
	s6 =	simm.s32 $0x108;
	_ =	swait.ge @!p0 [sflag:s8], $0x0  }
0x24: {  	s3 =	sadd.s32 $0x88, s3;
	s6 =	simm.s32 @!p1 $0x1082;
	[sflag:s4] =	ssyncset.s32 $0xFFFFF086  }
0x25: {  	[simem:s6], [sflag:s4] =	dma.local [hbm:s3], $0xF7A  }
0x26: {  	[smem:$0x3F9F] =	sst s1;
	(tag) =	ssettag s2;
	_ =	strace s9  }
0x27: {  	s1 =	sld [smem:$0x3FAF]  }
0x28: {  	s2 =	sld [smem:$0x3FB0]  }
0x29: {  	s4 =	sld [smem:$0x3FB2]  }
0x2a: {  	p0 =	seq.s32 s5, $0x0;
	s5 =	sld [smem:$0x3FB3]  }
0x2b: {  	s6 =	sld [smem:$0x3FB4]  }
0x2c: {  	s7 =	sld [smem:$0x3FB5]  }
0x2d: {  	s3 =	simm.s32 $0x108;
	s8 =	sld [smem:$0x3FB6]  }
0x2e: {  	s3 =	simm.s32 @!p0 $0x1082;
	s9 =	sld [smem:$0x3FB7]  }
0x2f: {  	lr =	sadd.s32 s0, s3;
	s0 =	sld [smem:$0x3FAE]  }
0x30: {  	s3 =	sld [smem:$0x3FB1]  }
0x31: {  	[smem:$0x3FBA] =	sst s10  }
0x32: {  	s10 =	sld [smem:$0x3FB8];
	_ =	sdelay $0x3  }
0x33: {  	p0 =	seq.s32 s10, $0x1;
	s10 =	sld [smem:$0x3FBA];
	_ =	sdelay $0x3  }
0x34: {  	[smem:$0x3FBA] =	sst s10  }
0x35: {  	s10 =	sld [smem:$0x3FB9];
	_ =	sdelay $0x3  }
0x36: {  	p1 =	seq.s32 s10, $0x1;
	s10 =	sld [smem:$0x3FBA];
	_ =	sdelay $0x3  }
0x37: {  	[smem:$0x3FBA] =	sst s10  }
0x38: {  	s10 =	sld [smem:$0x3FBB]  }
0x39: {  	_ = 	snop;
	(pc) =	sbr.ind lr, $3  }
0x3a: {  	_ = 	snop  }
0x3b: {  	_ = 	snop  }
0x3c: {  	p2 =	seq.s32 s10, $0x1;
	s10 =	sld [smem:$0x3FBA]  }
0x3d: {  	_ =	shalt  }
0x3e: {  	_ =	shalt  }
0x3f: {  	_ =	shalt  }
0x40: {  	_ =	shalt  }
0x41: {  	_ =	shalt  }
0x42: {  	_ =	shalt  }
0x43: {  	_ =	shalt  }
0x44: {  	_ =	shalt  }
0x45: {  	_ =	shalt  }
0x46: {  	_ =	shalt  }
0x47: {  	_ =	shalt  }
0x48: {  	_ =	shalt  }
0x49: {  	_ =	shalt  }
0x4a: {  	_ =	shalt  }
0x4b: {  	_ =	shalt  }
0x4c: {  	_ =	shalt  }
0x4d: {  	_ =	shalt  }
0x4e: {  	_ =	shalt  }
0x4f: {  	_ =	shalt  }
0x50: {  	_ =	shalt  }
0x51: {  	_ =	shalt  }
0x52: {  	_ =	shalt  }
0x53: {  	_ =	shalt  }
0x54: {  	_ =	shalt  }
0x55: {  	_ =	shalt  }
0x56: {  	_ =	shalt  }
0x57: {  	_ =	shalt  }
0x58: {  	_ =	shalt  }
0x59: {  	_ =	shalt  }
0x5a: {  	_ =	shalt  }
0x5b: {  	_ =	shalt  }
0x5c: {  	_ =	shalt  }
0x5d: {  	_ =	shalt  }
0x5e: {  	_ =	shalt  }
0x5f: {  	_ =	shalt  }
0x60: {  	_ =	shalt  }
0x61: {  	_ =	shalt  }
0x62: {  	_ =	shalt  }
0x63: {  	_ =	shalt  }
0x64: {  	_ =	shalt  }
0x65: {  	_ =	shalt  }
0x66: {  	_ =	shalt  }
0x67: {  	_ =	shalt  }
0x68: {  	_ =	shalt  }
0x69: {  	_ =	shalt  }
0x6a: {  	_ =	shalt  }
0x6b: {  	_ =	shalt  }
0x6c: {  	_ =	shalt  }
0x6d: {  	_ =	shalt  }
0x6e: {  	_ =	shalt  }
0x6f: {  	_ =	shalt  }
0x70: {  	_ =	shalt  }
0x71: {  	_ =	shalt  }
0x72: {  	_ =	shalt  }
0x73: {  	_ =	shalt  }
0x74: {  	_ =	shalt  }
0x75: {  	_ =	shalt  }
0x76: {  	_ =	shalt  }
0x77: {  	_ =	shalt  }
0x78: {  	_ =	shalt  }
0x79: {  	_ =	shalt  }
0x7a: {  	_ =	shalt  }
0x7b: {  	_ =	shalt  }
0x7c: {  	_ =	shalt  }
0x7d: {  	_ =	shalt  }
0x7e: {  	_ =	shalt  }
0x7f: {  	_ =	shalt  }
0x80: {  	_ =	shalt  }
0x81: {  	_ =	shalt  }
0x82: {  	_ =	shalt  }
0x83: {  	_ =	shalt  }
0x84: {  	_ =	shalt  }
0x85: {  	_ =	shalt  }
0x86: {  	_ =	shalt  }
0x87: {  	_ =	shalt  }
.Lfunc_end0:
.L_simem_size_0:
called_computation_lowered:
.L_overlay_start_0:
0x88: {  	s2 =	sld [smem:$0x3FD9]  }
0x89: {  	s3 =	sld [smem:$0x3FFE];
	_ =	sdelay $0x1  }
0x8a: {  	s1 =	srdreg.scid  }
0x8b: {  	s0 =	sand.u32 $0x1, s1  }
0x8c: {  	s18 =	sshll.u32 s0, $0xA;
	s2 =	sadd.s32 s3, s2  }
0x8d: {  	s2 =	sadd.s32 s2, s18  }
0x8e: {  	[smem:$0x3FC6] =	sst s2  }
0x8f: {  	_ = 	snop  }
0x90: {  	s2 =	sld [smem:$0x3FC9]  }
0x91: {  	s19 =	sld [smem:$0x3FC8]  }
0x92: {  	s4 =	sld [smem:$0x3FD0];
	(tm) =	ssettm $0x1  }
0x93: {  	s5 =	sld [smem:$0x3FFB];
	_ =	sdelay $0x3  }
0x94: {  	_ =	strace s5  }
0x95: {  	s5 =	sld [smem:$0x3FFC];
	_ =	sdelay $0x3  }
0x96: {  	_ =	strace s5  }
0x97: {  	s5 =	sld [smem:$0x3FFD];
	_ =	sdelay $0x3  }
0x98: {  	_ =	strace s5  }
0x99: {  	_ =	strace $0x8FFFFFFF  }
0x9a: {  	s20 =	sld [smem:$0x3FDB];
	_ =	sdelay $0x1  }
0x9b: {  	s6 =	simm.s32 $_scs_section_size  }
0x9c: {  	s7 =	simm.s32 $_size__tile_overlayer_lowered;
	s8 =	simm.s32 $_tile_overlayer_lowered  }
0x9d: {  	s23 =	simm.s32 $0x1BFF;
	s22 =	sshll.u32 s8, $0x1;
	s5 =	sadd.s32 s6, s20  }
0x9e: {  	s9 =	simm.s32 $0x0;
	s21 =	sshll.u32 s7, $0x1;
	s7 =	sadd.s32 s22, s5  }
0x9f: {  	[timem:s9], [sflag:s23] =	dma.local [hbm:s7], s21  }
0xa0: {  	_ =	swait.ge [sflag:s23], s21  }
0xa1: {  	s6 =	ssub.s32 $0x0, s21;
	[sflag:s23] =	ssyncset.done $0x0  }
0xa2: {  	[sflag:s23] =	ssyncadd.s32 s6;
	_ =	sdelay $0x1  }
0xa3: {  	s24 =	simm.s32 $0x1B8B  }
0xa4: {  	_ =	swait.ge [sflag:s24], $0x1  }
0xa5: {  	[sflag:s24] =	ssyncset.done $0x0  }
0xa6: {  	s25 =	simm.s32 $0x1B8E;
	[sflag:s24] =	ssyncadd.s32 $0xFFFFFFFF  }
0xa7: {  	s26 =	simm.s32 $execute0_lowered;
	[smem:$0x3FD2] =	sst s25  }
0xa8: {  	s6 =	sshll.u32 s26, $0x1;
	_ =	strace $0x80000046;
	[dreg:$0x1] =	wrdreg $0xFFFFFFFF  }
0xa9: {  	s28 =	simm.s32 $_size_execute0_lowered;
	s5 =	sadd.s32 s5, s6;
	[dreg:$0x0] =	wrdreg $0x0  }
0xaa: {  	s6 =	sshll.u32 s28, $0x1;
	[dreg:$0x2] =	wrdreg s5  }
0xab: {  	[dreg:$0x3] =	wrdreg s6  }
0xac: {  	[dreg:$0x4] =	wrdreg $0xC0  }
0xad: {  	_ =	task [dreg:s9], $0x5FFFF  }
0xae: {  	[dreg:$0x1] =	wrdreg $0xFFFFFFFF  }
0xaf: {  	[dreg:$0x0] =	wrdreg $0x60  }
0xb0: {  	[dreg:$0x2] =	wrdreg s2  }
0xb1: {  	[dreg:$0x3] =	wrdreg s19  }
0xb2: {  	[dreg:$0x4] =	wrdreg s4  }
0xb3: {  	[dreg:$0x5] =	wrdreg $0x1A4000  }
0xb4: {  	[dreg:$0x6] =	wrdreg $0x9  }
0xb5: {  	_ =	task.clear_ibuf [dreg:s9], $0x7FFFF;
	_ =	strace $0x90000046  }
0xb6: {  	s29 =	simm.s32 $0x9;
	_ =	strace $0x80000048  }
0xb7: {  	_ =	swait.ge [sflag:s29], $0x1  }
0xb8: {  	[sflag:s29] =	ssyncadd.s32 $0xFFFFFFFF  }
0xb9: {  	_ =	strace $0x90000048  }
0xba: {  	_ =	sfence  }
0xbb: {  	s30 =	sld [smem:$0x0];
	_ =	sdelay $0x2  }
0xbc: {  	s31 =	sshll.u32 s1, $0xD;
	s1 =	sshrl.u32 s1, $0x2  }
0xbd: {  	s3 =	sand.u32 $0x4000, s31;
	s1 =	sadd.s32 s1, s30  }
0xbe: {  	s0 =	sor.u32 s3, s0;
	s1 =	sshll.u32 s1, $0x11  }
0xbf: {  	s0 =	sor.u32 s1, s0  }
0xc0: {  	s0 =	sadd.s32 $0x8F2B, s0  }
0xc1: {  	[sflag:s0] =	ssyncadd.remote.s32 $0x1  }
0xc2: {  	_ =	sfence.sel $0xFFFF  }
0xc3: {  	[dreg:$0x0] =	wrdreg $0xFFFFFFFF;
	(pc) =	sbr.abs _section_cstart, $3  }
0xc4: {  	[dreg:$0x1] =	wrdreg $0xFFFFFFFF  }
0xc5: {  	_ =	task.clear_ibuf [dreg:s9], $0x2FFFF;
	_ =	strace $0x9FFFFFFF  }
0xc6: {  	(tm) =	ssettm $0x7FFFFFFF  }
0xc7: {  	_ =	shalt  }
tec
execute0_lowered:
.L_overlay_start_1:
0x0: {  	(tag) =	ssettag $0x1  }
0x1: {  	s0 =	rddreg [dreg:$0x0]  }
0x2: {  	s1 =	rddreg [dreg:$0x1];
	s2 =	srdreg.scid  }
0x3: {  	s12 =	stileid.u32;
	s4 =	rddreg [dreg:$0x2];
	s15 =	simm.s32 $0xB  }
0x4: {  	s16 =	simm.s32 $0x80;
	s17 =	simm.s32 $0x6400;
	s18 =	simm.s32 $0xA400  }
0x5: {  	s28 =	simm.s32 $0x3;
	s29 =	simm.s32 $0x4;
	s30 =	simm.s32 $0x5  }
0x6: {  	s31 =	simm.s32 $0x6;
	s19 =	simm.s32 $0x9;
	s9 =	smul.u32 $0x19000, s12  }
0x7: {  	s5 =	sand.u32 $0x1, s2;
	s3 =	sshll.u32 s12, $0x1;
	s21 =	smul.u32 $0xC80, s12  }
0x8: {  	s2 =	rddreg [dreg:$0x3];
	s25 =	smul.u32 $0xC8000, s12;
	s6 =	sor.u32 s5, s3  }
0x9: {  	s3 =	simm.s32 $0x0;
	s8 =	ssub.s32 $0x2, s5;
	s5 =	smul.u32 $0x64000, s5  }
0xa: {  	p0 =	sgt.u32 s12, $0x4;
	s7 =	smul.u32 $0x6400, s6;
	[smem:$0x7FF] =	sst s3  }
0xb: {  	s10 =	sshrl.u32 s8, $0x1;
	s6 =	smul.u32 $0x320000, s6;
	s20 =	sshrl.u32 s9, $0x2  }
0xc: {  	s1 =	sadd.s32 s1, s21;
	s26 =	sadd.s32 s25, s4;
	s25 =	simm.s32 $0x1  }
0xd: {  	s21 =	simm.s32 $0xA;
	_ =	strace $0x80000047;
	s11 =	ssub.s32 s8, s10  }
0xe: {  	s14 =	sadd.s32 s20, s2;
	[dreg:$0x5] =	wrdreg s1;
	s1 =	sshll.u32 @!p0 s12, $0x6  }
0xf: {  	s20 =	simm.s32 $0xE400;
	s7 =	sshrl.u32 s7, $0x3;
	s6 =	sshrl.u32 s6, $0x3  }
0x10: {  	s11 =	smax.u32 s11, $0x1;
	s13 =	sor.u32 @!p0 $0x1C0B, s1;
	s14 =	sshrl.u32 @!p0 s14, $0x3  }
0x11: {  	s1 =	simm.s32 $0x7;
	s0 =	sadd.s32 s0, s7;
	s22 =	sadd.s32 s4, s6  }
0x12: {  	[dreg:$0x6] =	wrdreg s0;
	s23 =	sadd.s32 $0x61800, s22;
	s24 =	sadd.s32 $0x62000, s22  }
0x13: {  	s8 =	sadd.s32 $0x62800, s22;
	s9 =	sadd.s32 $0x63000, s22;
	s10 =	sadd.s32 $0x63800, s22  }
0x14: {  	s0 =	sadd.s32 s5, s26;
	s22 =	simm.s32 $0x12400;
	[dreg:$0x7] =	wrdreg s23  }
0x15: {  	s26 =	simm.s32 $0x2;
	[dreg:$0x8] =	wrdreg s24;
	s12 =	sadd.s32 $0x2000, s0  }
0x16: {  	s24 =	simm.s32 $0x16400;
	s0 =	simm.s32 $0x8;
	s23 =	simm.s32 $0x0  }
.LBB2_1:
0x17: {  	s4 =	rddreg [dreg:$0x5]  }
0x18: {  	[spmem:s14], [sflag:s13] =	dma.local @!p0 [hbm:s4], $0xC80  }
0x19: {  	s4 =	simm.s32 @!p0 $0xB  }
0x1a: {  	_ =	swait.ge @!p0 [sflag:s4], $0xC80  }
0x1b: {  	[sflag:s4] =	ssyncset.done @!p0 $0x0  }
0x1c: {  	s5 =	rddreg [dreg:$0x6];
	[sflag:s4] =	ssyncadd.s32 @!p0 $0xFFFFF380  }
0x1d: {  	[tilespmem:s3], [sflag:$0xB] =	stream.linear.gather [hbm4b:s5+s3], $0x6400, $0x38;
	[tilespmem:$0x1C340] =	vst v63  }
0x1e: {  	_ =	swait.ge [sflag:s15], $0x6400  }
0x1f: {  	[sflag:s15] =	ssyncset.done $0x0  }
0x20: {  	[sflag:s15] =	ssyncadd.s32 $0xFFFF9C00  }
0x21: {  	[bflag:$0x0] =	sbarrier.arrive $0xFFFF  }
0x22: {  	[tilespmem:s17], [sflag:$0x1] =	stream.indirect.gather [spmem:s2], $0x80, s3, s16, $0xb8;
	[tilespmem:$0x1C340] =	vst v63  }
0x23: {  	_ = 	snop  }
0x24: {  	[tilespmem:s18], [sflag:$0x2] =	stream.indirect.gather [spmem:s2], $0x80, s16, s16, $0xb8;
	[tilespmem:$0x1C340] =	vst v63  }
0x25: {  	s6 =	simm.s32 $0x100  }
0x26: {  	[tilespmem:s20], [sflag:$0x3] =	stream.indirect.gather [spmem:s2], $0x80, s6, s16, $0xb8;
	[tilespmem:$0x1C340] =	vst v63  }
0x27: {  	s7 =	simm.s32 $0x180  }
0x28: {  	[tilespmem:s22], [sflag:$0x4] =	stream.indirect.gather [spmem:s2], $0x80, s7, s16, $0xb8;
	[tilespmem:$0x1C340] =	vst v63  }
0x29: {  	s5 =	simm.s32 $0x200  }
0x2a: {  	[tilespmem:s24], [sflag:$0x5] =	stream.indirect.gather [spmem:s2], $0x80, s5, s16, $0xb8;
	[tilespmem:$0x1C340] =	vst v63  }
0x2b: {  	_ =	swait.ge [sflag:s25], $0x4000  }
0x2c: {  	[sflag:s25] =	ssyncset.done $0x0  }
0x2d: {  	s6 =	sadd.s32 $0xFFFFE000, s12;
	[sflag:s25] =	ssyncadd.s32 $0xFFFFC000  }
0x2e: {  	[hbm4b:s6+s3] =	stream.linear.scatter [tilespmem:s17], [sflag:$0x6], $0x4000, $0x38;
	[tilespmem:$0x1C340] =	vst v63  }
0x2f: {  	_ =	swait.ge [sflag:s26], $0x4000  }
0x30: {  	[sflag:s26] =	ssyncset.done $0x0  }
0x31: {  	s7 =	sadd.s32 $0xFFFFE800, s12;
	[sflag:s26] =	ssyncadd.s32 $0xFFFFC000  }
0x32: {  	[hbm4b:s7+s3] =	stream.linear.scatter [tilespmem:s18], [sflag:$0x7], $0x4000, $0x38;
	[tilespmem:$0x1C340] =	vst v63  }
0x33: {  	_ =	swait.ge [sflag:s28], $0x4000  }
0x34: {  	[sflag:s28] =	ssyncset.done $0x0  }
0x35: {  	s5 =	sadd.s32 $0xFFFFF000, s12;
	[sflag:s28] =	ssyncadd.s32 $0xFFFFC000  }
0x36: {  	[hbm4b:s5+s3] =	stream.linear.scatter [tilespmem:s20], [sflag:$0x8], $0x4000, $0x38;
	[tilespmem:$0x1C340] =	vst v63  }
0x37: {  	_ =	swait.ge [sflag:s29], $0x4000  }
0x38: {  	[sflag:s29] =	ssyncset.done $0x0  }
0x39: {  	s6 =	sadd.s32 $0xFFFFF800, s12;
	[sflag:s29] =	ssyncadd.s32 $0xFFFFC000  }
0x3a: {  	[hbm4b:s6+s3] =	stream.linear.scatter [tilespmem:s22], [sflag:$0x9], $0x4000, $0x38;
	[tilespmem:$0x1C340] =	vst v63  }
0x3b: {  	_ =	swait.ge [sflag:s30], $0x4000  }
0x3c: {  	[sflag:s30] =	ssyncset.done $0x0  }
0x3d: {  	[sflag:s30] =	ssyncadd.s32 $0xFFFFC000  }
0x3e: {  	[hbm4b:s12+s3] =	stream.linear.scatter [tilespmem:s24], [sflag:$0xA], $0x4000, $0x38;
	[tilespmem:$0x1C340] =	vst v63  }
0x3f: {  	_ =	swait.ge [sflag:s31], $0x4000  }
0x40: {  	[sflag:s31] =	ssyncset.done $0x0  }
0x41: {  	s7 =	simm.s32 $0x280;
	[sflag:s31] =	ssyncadd.s32 $0xFFFFC000  }
0x42: {  	[tilespmem:s17], [sflag:$0x1] =	stream.indirect.gather [spmem:s2], $0x80, s7, s16, $0xb8;
	[tilespmem:$0x1C340] =	vst v63  }
0x43: {  	_ =	swait.ge [sflag:s1], $0x4000  }
0x44: {  	[sflag:s1] =	ssyncset.done $0x0  }
0x45: {  	s5 =	simm.s32 $0x300;
	[sflag:s1] =	ssyncadd.s32 $0xFFFFC000  }
0x46: {  	[tilespmem:s18], [sflag:$0x2] =	stream.indirect.gather [spmem:s2], $0x80, s5, s16, $0xb8;
	[tilespmem:$0x1C340] =	vst v63  }
0x47: {  	_ =	swait.ge [sflag:s0], $0x4000  }
0x48: {  	[sflag:s0] =	ssyncset.done $0x0  }
0x49: {  	s6 =	simm.s32 $0x380;
	[sflag:s0] =	ssyncadd.s32 $0xFFFFC000  }
0x4a: {  	[tilespmem:s20], [sflag:$0x3] =	stream.indirect.gather [spmem:s2], $0x80, s6, s16, $0xb8;
	[tilespmem:$0x1C340] =	vst v63  }
0x4b: {  	_ =	swait.ge [sflag:s19], $0x4000  }
0x4c: {  	[sflag:s19] =	ssyncset.done $0x0  }
0x4d: {  	s7 =	simm.s32 $0x400;
	[sflag:s19] =	ssyncadd.s32 $0xFFFFC000  }
0x4e: {  	[tilespmem:s22], [sflag:$0x4] =	stream.indirect.gather [spmem:s2], $0x80, s7, s16, $0xb8;
	[tilespmem:$0x1C340] =	vst v63  }
0x4f: {  	_ =	swait.ge [sflag:s21], $0x4000  }
0x50: {  	s4 =	simm.s32 $0xA00;
	[sflag:s21] =	ssyncset.done $0x0  }
0x51: {  	s5 =	sadd.s32 $0x2800, s12;
	s6 =	simm.s32 $0x480;
	[sflag:s21] =	ssyncadd.s32 $0xFFFFC000  }
.LBB2_2:
0x52: {  	[tilespmem:s24], [sflag:$0x5] =	stream.indirect.gather [spmem:s2], $0x80, s6, s16, $0xb8;
	[tilespmem:$0x1C340] =	vst v63  }
0x53: {  	s6 =	smov.u32 s4  }
0x54: {  	p1 =	sne.s32 s4, $0x17C00;
	s4 =	sadd.s32 $0xA00, s4;
	_ =	swait.ge [sflag:s25], $0x4000  }
0x55: {  	[sflag:s25] =	ssyncset.done $0x0  }
0x56: {  	s7 =	sadd.s32 $0xFFFFE000, s5;
	[sflag:s25] =	ssyncadd.s32 $0xFFFFC000  }
0x57: {  	[hbm4b:s7+s3] =	stream.linear.scatter [tilespmem:s17], [sflag:$0x6], $0x4000, $0x38;
	[tilespmem:$0x1C340] =	vst v63  }
0x58: {  	_ =	swait.ge [sflag:s26], $0x4000  }
0x59: {  	[sflag:s26] =	ssyncset.done $0x0  }
0x5a: {  	s7 =	sadd.s32 $0xFFFFE800, s5;
	[sflag:s26] =	ssyncadd.s32 $0xFFFFC000  }
0x5b: {  	[hbm4b:s7+s3] =	stream.linear.scatter [tilespmem:s18], [sflag:$0x7], $0x4000, $0x38;
	[tilespmem:$0x1C340] =	vst v63  }
0x5c: {  	_ =	swait.ge [sflag:s28], $0x4000  }
0x5d: {  	[sflag:s28] =	ssyncset.done $0x0  }
0x5e: {  	s7 =	sadd.s32 $0xFFFFF000, s5;
	[sflag:s28] =	ssyncadd.s32 $0xFFFFC000  }
0x5f: {  	[hbm4b:s7+s3] =	stream.linear.scatter [tilespmem:s20], [sflag:$0x8], $0x4000, $0x38;
	[tilespmem:$0x1C340] =	vst v63  }
0x60: {  	_ =	swait.ge [sflag:s29], $0x4000  }
0x61: {  	[sflag:s29] =	ssyncset.done $0x0  }
0x62: {  	s7 =	sadd.s32 $0xFFFFF800, s5;
	[sflag:s29] =	ssyncadd.s32 $0xFFFFC000  }
0x63: {  	[hbm4b:s7+s3] =	stream.linear.scatter [tilespmem:s22], [sflag:$0x9], $0x4000, $0x38;
	[tilespmem:$0x1C340] =	vst v63  }
0x64: {  	_ =	swait.ge [sflag:s30], $0x4000  }
0x65: {  	[sflag:s30] =	ssyncset.done $0x0  }
0x66: {  	[sflag:s30] =	ssyncadd.s32 $0xFFFFC000  }
0x67: {  	[hbm4b:s5+s3] =	stream.linear.scatter [tilespmem:s24], [sflag:$0xA], $0x4000, $0x38;
	[tilespmem:$0x1C340] =	vst v63  }
0x68: {  	_ =	swait.ge [sflag:s31], $0x4000  }
0x69: {  	s6 =	sshra.s32 s6, $0x2;
	[sflag:s31] =	ssyncset.done $0x0  }
0x6a: {  	s7 =	sadd.s32 $0x280, s6;
	[sflag:s31] =	ssyncadd.s32 $0xFFFFC000  }
0x6b: {  	[tilespmem:s17], [sflag:$0x1] =	stream.indirect.gather [spmem:s2], $0x80, s7, s16, $0xb8;
	[tilespmem:$0x1C340] =	vst v63  }
0x6c: {  	_ =	swait.ge [sflag:s1], $0x4000  }
0x6d: {  	[sflag:s1] =	ssyncset.done $0x0  }
0x6e: {  	s7 =	sadd.s32 $0x300, s6;
	[sflag:s1] =	ssyncadd.s32 $0xFFFFC000  }
0x6f: {  	[tilespmem:s18], [sflag:$0x2] =	stream.indirect.gather [spmem:s2], $0x80, s7, s16, $0xb8;
	[tilespmem:$0x1C340] =	vst v63  }
0x70: {  	_ =	swait.ge [sflag:s0], $0x4000  }
0x71: {  	[sflag:s0] =	ssyncset.done $0x0  }
0x72: {  	s7 =	sadd.s32 $0x380, s6;
	[sflag:s0] =	ssyncadd.s32 $0xFFFFC000  }
0x73: {  	[tilespmem:s20], [sflag:$0x3] =	stream.indirect.gather [spmem:s2], $0x80, s7, s16, $0xb8;
	[tilespmem:$0x1C340] =	vst v63  }
0x74: {  	_ =	swait.ge [sflag:s19], $0x4000  }
0x75: {  	[sflag:s19] =	ssyncset.done $0x0  }
.Ltmp0:
0x76: {  	s7 =	sadd.s32 $0x400, s6;
	[sflag:s19] =	ssyncadd.s32 $0xFFFFC000;
	(pc) =	sbr.rel @p1 .LBB2_2-.Ltmp0, $4  }
0x77: {  	[tilespmem:s22], [sflag:$0x4] =	stream.indirect.gather [spmem:s2], $0x80, s7, s16, $0xb8;
	[tilespmem:$0x1C340] =	vst v63  }
0x78: {  	_ =	swait.ge [sflag:s21], $0x4000  }
0x79: {  	[sflag:s21] =	ssyncset.done $0x0  }
0x7a: {  	s5 =	sadd.s32 $0x2800, s5;
	s6 =	sadd.s32 $0x480, s6;
	[sflag:s21] =	ssyncadd.s32 $0xFFFFC000  }
0x7b: {  	[tilespmem:s24], [sflag:$0x5] =	stream.indirect.gather [spmem:s2], $0x80, s6, s16, $0xb8;
	[tilespmem:$0x1C340] =	vst v63  }
0x7c: {  	_ =	swait.ge [sflag:s25], $0x4000  }
0x7d: {  	[sflag:s25] =	ssyncset.done $0x0  }
0x7e: {  	s4 =	rddreg [dreg:$0x7];
	[sflag:s25] =	ssyncadd.s32 $0xFFFFC000  }
0x7f: {  	[hbm4b:s4+s3] =	stream.linear.scatter [tilespmem:s17], [sflag:$0x6], $0x4000, $0x38;
	[tilespmem:$0x1C340] =	vst v63  }
0x80: {  	_ =	swait.ge [sflag:s26], $0x4000  }
0x81: {  	[sflag:s26] =	ssyncset.done $0x0  }
0x82: {  	s7 =	rddreg [dreg:$0x8];
	[sflag:s26] =	ssyncadd.s32 $0xFFFFC000  }
0x83: {  	[hbm4b:s7+s3] =	stream.linear.scatter [tilespmem:s18], [sflag:$0x7], $0x4000, $0x38;
	[tilespmem:$0x1C340] =	vst v63  }
0x84: {  	_ =	swait.ge [sflag:s28], $0x4000  }
0x85: {  	[sflag:s28] =	ssyncset.done $0x0  }
0x86: {  	[sflag:s28] =	ssyncadd.s32 $0xFFFFC000  }
0x87: {  	[hbm4b:s8+s3] =	stream.linear.scatter [tilespmem:s20], [sflag:$0x8], $0x4000, $0x38;
	[tilespmem:$0x1C340] =	vst v63  }
0x88: {  	_ =	swait.ge [sflag:s29], $0x4000  }
0x89: {  	[sflag:s29] =	ssyncset.done $0x0  }
0x8a: {  	[sflag:s29] =	ssyncadd.s32 $0xFFFFC000  }
0x8b: {  	[hbm4b:s9+s3] =	stream.linear.scatter [tilespmem:s22], [sflag:$0x9], $0x4000, $0x38;
	[tilespmem:$0x1C340] =	vst v63  }
0x8c: {  	_ =	swait.ge [sflag:s30], $0x4000  }
0x8d: {  	[sflag:s30] =	ssyncset.done $0x0  }
0x8e: {  	[sflag:s30] =	ssyncadd.s32 $0xFFFFC000  }
0x8f: {  	[hbm4b:s10+s3] =	stream.linear.scatter [tilespmem:s24], [sflag:$0xA], $0x4000, $0x38;
	[tilespmem:$0x1C340] =	vst v63  }
0x90: {  	_ =	swait.ge [sflag:s31], $0x4000  }
0x91: {  	[sflag:s31] =	ssyncset.done $0x0  }
0x92: {  	[sflag:s31] =	ssyncadd.s32 $0xFFFFC000  }
0x93: {  	_ =	swait.ge [sflag:s1], $0x4000  }
0x94: {  	[sflag:s1] =	ssyncset.done $0x0  }
0x95: {  	[sflag:s1] =	ssyncadd.s32 $0xFFFFC000  }
0x96: {  	_ =	swait.ge [sflag:s0], $0x4000  }
0x97: {  	[sflag:s0] =	ssyncset.done $0x0  }
0x98: {  	s23 =	sadd.s32 $0x1, s23;
	[sflag:s0] =	ssyncadd.s32 $0xFFFFC000  }
0x99: {  	p1 =	sne.s32 s23, s11;
	_ =	swait.ge [sflag:s19], $0x4000  }
.Ltmp1:
0x9a: {  	[sflag:s19] =	ssyncset.done $0x0;
	(pc) =	sbr.rel @p1 .LBB2_1-.Ltmp1, $4  }
0x9b: {  	[sflag:s19] =	ssyncadd.s32 $0xFFFFC000  }
0x9c: {  	_ =	swait.ge [sflag:s21], $0x4000  }
0x9d: {  	[sflag:s21] =	ssyncset.done $0x0  }
0x9e: {  	[sflag:s21] =	ssyncadd.s32 $0xFFFFC000  }
0x9f: {  	_ =	sfence.sel $0x180000  }
0xa0: {  	[bflag:$0x0] =	sbarrier.arrive $0xFFFF  }
0xa1: {  	_ =	strace $0x90000047  }
0xa2: {  	s0 =	stileid.u32;
	[bflag:$0x2] =	sbarrier.arrive $0xFFFF  }
0xa3: {  	p0 =	sne.s32 s0, $0x0;
	s0 =	rddreg [dreg:$0x4]  }
0xa4: {  	s0 =	sadd.s32 @!p0 $0x100000, s0  }
0xa5: {  	[sflag:s0] =	ssyncadd.tile.s32 @!p0 $0x1;
	_ =	shalt  }
.Lfunc_end2:
_tile_overlayer_lowered:
.L_overlay_start_2:
0xa6: {  	(tag) =	ssettag $0x2  }
0xa7: {  	s0 =	rddreg [dreg:$0x0];
	s2 =	stileid.u32  }
0xa8: {  	s1 =	rddreg [dreg:$0x1];
	p0 =	sne.s32 s2, $0x0  }
0xa9: {  	s3 =	rddreg [dreg:$0x2];
	[bflag:$0x3] =	sbarrier.arrive $0xFFFF;
	s2 =	simm.s32 @!p0 $0x1C0B  }
0xaa: {  	[timem:s3], [sflag:s2] =	dma.local @!p0 [hbm:s0], s1  }
0xab: {  	s0 =	simm.s32 @!p0 $0xB  }
0xac: {  	_ =	swait.ge @!p0 [sflag:s0], s1  }
0xad: {  	s1 =	ssub.s32 @!p0 $0x0, s1;
	[sflag:s0] =	ssyncset.done @!p0 $0x0  }
0xae: {  	[sflag:s0] =	ssyncadd.s32 @!p0 s1  }
0xaf: {  	[bflag:$0x3] =	sbarrier.arrive $0xFFFF  }
0xb0: {  	_ =	shalt  }

</sc_bundles>
